<compile_context>
chip_gen: v7x
topology: tpu7x:2x2x1
jax: 0.10.2.dev20260603
libtpu: 0.0.44.dev20260713+nightly
codegen_flags: <defaults>
</compile_context>

<pallas_src>
import functools

import jax
import jax.numpy as jnp
from jax import lax
from jax.experimental import pallas as pl
from jax.experimental.pallas import tpu as pltpu
from jax.experimental.pallas import tpu_sc as plsc

V = 100000
E = 128
H = 128
CTX = 200

RPW = 8
NWORK = 32
ACTIVE = CTX // RPW

BV = 12800
NB = -(-V // BV)
VP = NB * BV


def _sc_gather_sum_body(idx_hbm, table_hbm, out_hbm, idx_v, rows_v, acc_v, sem):
    wid = lax.axis_index("s") * 2 + lax.axis_index("c")
    for e in range(E // 16):
        acc_v[pl.ds(e * 16, 16)] = jnp.zeros((16,), jnp.float32)

    @pl.when(wid < ACTIVE)
    def _():
        pltpu.sync_copy(idx_hbm.at[pl.ds(wid * RPW, RPW)], idx_v)
        pltpu.async_copy(table_hbm.at[idx_v], rows_v, sem).wait()
        for e in range(E // 16):
            acc = acc_v[pl.ds(e * 16, 16)]
            for r in range(RPW):
                acc = acc + rows_v[r, pl.ds(e * 16, 16)]
            acc_v[pl.ds(e * 16, 16)] = acc

    pltpu.sync_copy(acc_v, out_hbm.at[wid])


@functools.lru_cache(maxsize=1)
def _sc_gather_sum():
    return functools.partial(
        pl.kernel,
        mesh=plsc.VectorSubcoreMesh(core_axis_name="c", subcore_axis_name="s"),
        out_type=jax.ShapeDtypeStruct((NWORK, E), jnp.float32),
        scratch_types=[
            pltpu.VMEM((RPW,), jnp.int32),
            pltpu.VMEM((RPW, E), jnp.float32),
            pltpu.VMEM((E,), jnp.float32),
            pltpu.SemaphoreType.DMA,
        ],
    )(_sc_gather_sum_body)


def _tc_body(partials, W1r, b1r, W2r, b2r, outr, logits_s, h_s, m_s, s_s):
    i = pl.program_id(0)

    @pl.when(i == 0)
    def _():
        emb = jnp.sum(partials[...], axis=0, keepdims=True)
        hh = lax.dot_general(emb, W1r[...], (((1,), (1,)), ((), ())),
                             preferred_element_type=jnp.float32) + b1r[...]
        hh = jnp.maximum(hh, 0.0)
        hc = hh.astype(jnp.bfloat16)
        hr = (hh - hc.astype(jnp.float32)).astype(jnp.bfloat16)
        h_s[...] = jnp.concatenate([hc, hr], axis=0)
        m_s[...] = jnp.full((1, 1), -1e30, jnp.float32)
        s_s[...] = jnp.zeros((1, 1), jnp.float32)

    lg2 = lax.dot_general(h_s[...], W2r[...].astype(jnp.bfloat16),
                          (((1,), (1,)), ((), ())),
                          preferred_element_type=jnp.float32)
    logits = lg2[0:1, :] + lg2[1:2, :] + b2r[...]
    logits_s[:, pl.ds(pl.multiple_of(i * BV, 128), BV)] = logits

    col = i * BV + lax.broadcasted_iota(jnp.int32, (1, BV), 1)
    lm = jnp.where(col < V, logits, -1e30)

    m_old = m_s[...]
    bm = jnp.max(lm, axis=(0, 1), keepdims=True)
    m_new = jnp.maximum(m_old, bm)
    s_s[...] = (s_s[...] * jnp.exp(m_old - m_new)
                + jnp.sum(jnp.exp(lm - m_new), axis=(0, 1), keepdims=True))
    m_s[...] = m_new

    @pl.when(i == NB - 1)
    def _():
        lse = m_new + jnp.log(s_s[...])
        outr[...] = logits_s[:, :V] - lse


_tc_main = pl.pallas_call(
    _tc_body,
    grid=(NB,),
    in_specs=[
        pl.BlockSpec((NWORK, E), lambda i: (0, 0)),
        pl.BlockSpec((H, E), lambda i: (0, 0)),
        pl.BlockSpec((1, H), lambda i: (0, 0)),
        pl.BlockSpec((BV, H), lambda i: (i, 0)),
        pl.BlockSpec((1, BV), lambda i: (0, i)),
    ],
    out_specs=pl.BlockSpec((1, V), lambda i: (0, 0)),
    out_shape=jax.ShapeDtypeStruct((1, V), jnp.float32),
    scratch_shapes=[
        pltpu.VMEM((1, VP), jnp.float32),
        pltpu.VMEM((2, H), jnp.bfloat16),
        pltpu.VMEM((1, 1), jnp.float32),
        pltpu.VMEM((1, 1), jnp.float32),
    ],
)


def kernel(inputs, table, W1, b1, W2, b2):
    idx = inputs.astype(jnp.int32)
    partials = _sc_gather_sum()(idx, table)
    return _tc_main(partials, W1, b1.reshape(1, H), W2, b2.reshape(1, V))

# --- scband reference (transcript-rebuilt; emitter-appended) ---
"""Pipeline reference for scband-cbow-22256520527882 (READ-ONLY COPY).

The authoritative reference and input builder live on the scoring server;
editing this copy changes nothing except your own understanding.
"""

import jax, jax.numpy as jnp
import numpy as np

VOCAB = 100000
EMBED = 128
HIDDEN = 128
CTX = 200

def setup_inputs(seed: int = 0) -> dict:
    key = jax.random.key(seed)
    k1, k2, k3, k4, k5, k6 = jax.random.split(key, 6)
    inputs = jax.random.randint(k1, (CTX,), 0, VOCAB, dtype=jnp.int64)
    table = jax.random.normal(k2, (VOCAB, EMBED), dtype=jnp.float32)
    # torch Linear(embedding_dim, 128): weight [128, EMBED], bias [128]
    W1 = jax.random.normal(k3, (HIDDEN, EMBED), dtype=jnp.float32) * (1.0 / np.sqrt(EMBED))
    b1 = jax.random.normal(k4, (HIDDEN,), dtype=jnp.float32) * 0.01
    # torch Linear(128, vocab_size): weight [VOCAB, 128], bias [VOCAB]
    W2 = jax.random.normal(k5, (VOCAB, HIDDEN), dtype=jnp.float32) * (1.0 / np.sqrt(HIDDEN))
    b2 = jax.random.normal(k6, (VOCAB,), dtype=jnp.float32) * 0.01
    return {"inputs": inputs, "table": table, "W1": W1, "b1": b1, "W2": W2, "b2": b2}

def reference(inputs, table, W1, b1, W2, b2):
    # embeds = sum(self.embeddings(inputs)).view(1, -1)
    gathered = jnp.take(table, inputs, axis=0)          # [CTX, EMBED]
    embeds = jnp.sum(gathered, axis=0).reshape(1, -1)   # [1, EMBED]
    out = embeds @ W1.T + b1                             # [1, HIDDEN]
    out = jax.nn.relu(out)
    out = out @ W2.T + b2                                # [1, VOCAB]
    out = jax.nn.log_softmax(out, axis=-1)
    return out

if __name__ == "__main__":
    import jax
    _d = setup_inputs()
    print(jax.jit(kernel)(*tuple(_d.values())))

</pallas_src>

<mosaic_0001>
#map = affine_map<(d0, d1) -> (0)>
#map1 = affine_map<(d0, d1) -> (0, 0)>
module attributes {stable_mosaic.version = 14 : i64} {
  func.func @_sc_gather_sum_body(%arg0: i32, %arg1: i32, %arg2: memref<200xi32, #tpu.memory_space<hbm>>, %arg3: memref<100000x128xf32, #tpu.memory_space<hbm>>, %arg4: memref<32x128xf32, #tpu.memory_space<hbm>>, %arg5: memref<8xi32, #tpu.memory_space<vmem>>, %arg6: memref<8x128xf32, #tpu.memory_space<vmem>>, %arg7: memref<128xf32, #tpu.memory_space<vmem>>, %arg8: memref<!tpu.dma_semaphore, #tpu.memory_space<semaphore_mem>>) attributes {dimension_semantics = [#tpu.dimension_semantics<core_parallel>, #tpu.dimension_semantics<subcore_parallel>], iteration_bounds = array<i64: 2, 16>, scalar_prefetch = 0 : i64, scratch_operands = 4 : i64, tpu.core_type = #tpu.core_type<sc_vector_subcore>, window_params = [{transform_indices = #map}, {transform_indices = #map1}, {transform_indices = #map1}]} {
    %mul3A = arith.constant 2 : i32
    %mul3A_0 = arith.muli %arg1, %mul3A : i32
    %add3A = arith.addi %mul3A_0, %arg0 : i32
    %broadcast_in_dim3A = arith.constant 0.000000e+00 : f32
    %broadcast_in_dim3A_1 = vector.broadcast %broadcast_in_dim3A : f32 to vector<16xf32>
    %swap3A = arith.constant 0 : index
    %swap3A_2 = tpu.vector_load %arg7[%swap3A] {strides = array<i32>} : memref<128xf32, #tpu.memory_space<vmem>>, vector<16xf32>,
    %swap3A_3 = vector.shape_cast %swap3A_2 : vector<16xf32> to vector<16xf32>
    %swap3A_4 = vector.shape_cast %broadcast_in_dim3A_1 : vector<16xf32> to vector<16xf32>
    tpu.vector_store %arg7[%swap3A], %swap3A_4 {strides = array<i32>} : memref<128xf32, #tpu.memory_space<vmem>>, vector<16xf32>,
    %broadcast_in_dim3A_5 = arith.constant 0.000000e+00 : f32
    %broadcast_in_dim3A_6 = vector.broadcast %broadcast_in_dim3A_5 : f32 to vector<16xf32>
    %swap3A_7 = arith.constant 16 : index
    %swap3A_8 = tpu.vector_load %arg7[%swap3A_7] {strides = array<i32>} : memref<128xf32, #tpu.memory_space<vmem>>, vector<16xf32>,
    %swap3A_9 = vector.shape_cast %swap3A_8 : vector<16xf32> to vector<16xf32>
    %swap3A_10 = vector.shape_cast %broadcast_in_dim3A_6 : vector<16xf32> to vector<16xf32>
    tpu.vector_store %arg7[%swap3A_7], %swap3A_10 {strides = array<i32>} : memref<128xf32, #tpu.memory_space<vmem>>, vector<16xf32>,
    %broadcast_in_dim3A_11 = arith.constant 0.000000e+00 : f32
    %broadcast_in_dim3A_12 = vector.broadcast %broadcast_in_dim3A_11 : f32 to vector<16xf32>
    %swap3A_13 = arith.constant 32 : index
    %swap3A_14 = tpu.vector_load %arg7[%swap3A_13] {strides = array<i32>} : memref<128xf32, #tpu.memory_space<vmem>>, vector<16xf32>,
    %swap3A_15 = vector.shape_cast %swap3A_14 : vector<16xf32> to vector<16xf32>
    %swap3A_16 = vector.shape_cast %broadcast_in_dim3A_12 : vector<16xf32> to vector<16xf32>
    tpu.vector_store %arg7[%swap3A_13], %swap3A_16 {strides = array<i32>} : memref<128xf32, #tpu.memory_space<vmem>>, vector<16xf32>,
    %broadcast_in_dim3A_17 = arith.constant 0.000000e+00 : f32
    %broadcast_in_dim3A_18 = vector.broadcast %broadcast_in_dim3A_17 : f32 to vector<16xf32>
    %swap3A_19 = arith.constant 48 : index
    %swap3A_20 = tpu.vector_load %arg7[%swap3A_19] {strides = array<i32>} : memref<128xf32, #tpu.memory_space<vmem>>, vector<16xf32>,
    %swap3A_21 = vector.shape_cast %swap3A_20 : vector<16xf32> to vector<16xf32>
    %swap3A_22 = vector.shape_cast %broadcast_in_dim3A_18 : vector<16xf32> to vector<16xf32>
    tpu.vector_store %arg7[%swap3A_19], %swap3A_22 {strides = array<i32>} : memref<128xf32, #tpu.memory_space<vmem>>, vector<16xf32>,
    %broadcast_in_dim3A_23 = arith.constant 0.000000e+00 : f32
    %broadcast_in_dim3A_24 = vector.broadcast %broadcast_in_dim3A_23 : f32 to vector<16xf32>
    %swap3A_25 = arith.constant 64 : index
    %swap3A_26 = tpu.vector_load %arg7[%swap3A_25] {strides = array<i32>} : memref<128xf32, #tpu.memory_space<vmem>>, vector<16xf32>,
    %swap3A_27 = vector.shape_cast %swap3A_26 : vector<16xf32> to vector<16xf32>
    %swap3A_28 = vector.shape_cast %broadcast_in_dim3A_24 : vector<16xf32> to vector<16xf32>
    tpu.vector_store %arg7[%swap3A_25], %swap3A_28 {strides = array<i32>} : memref<128xf32, #tpu.memory_space<vmem>>, vector<16xf32>,
    %broadcast_in_dim3A_29 = arith.constant 0.000000e+00 : f32
    %broadcast_in_dim3A_30 = vector.broadcast %broadcast_in_dim3A_29 : f32 to vector<16xf32>
    %swap3A_31 = arith.constant 80 : index
    %swap3A_32 = tpu.vector_load %arg7[%swap3A_31] {strides = array<i32>} : memref<128xf32, #tpu.memory_space<vmem>>, vector<16xf32>,
    %swap3A_33 = vector.shape_cast %swap3A_32 : vector<16xf32> to vector<16xf32>
    %swap3A_34 = vector.shape_cast %broadcast_in_dim3A_30 : vector<16xf32> to vector<16xf32>
    tpu.vector_store %arg7[%swap3A_31], %swap3A_34 {strides = array<i32>} : memref<128xf32, #tpu.memory_space<vmem>>, vector<16xf32>,
    %broadcast_in_dim3A_35 = arith.constant 0.000000e+00 : f32
    %broadcast_in_dim3A_36 = vector.broadcast %broadcast_in_dim3A_35 : f32 to vector<16xf32>
    %swap3A_37 = arith.constant 96 : index
    %swap3A_38 = tpu.vector_load %arg7[%swap3A_37] {strides = array<i32>} : memref<128xf32, #tpu.memory_space<vmem>>, vector<16xf32>,
    %swap3A_39 = vector.shape_cast %swap3A_38 : vector<16xf32> to vector<16xf32>
    %swap3A_40 = vector.shape_cast %broadcast_in_dim3A_36 : vector<16xf32> to vector<16xf32>
    tpu.vector_store %arg7[%swap3A_37], %swap3A_40 {strides = array<i32>} : memref<128xf32, #tpu.memory_space<vmem>>, vector<16xf32>,
    %broadcast_in_dim3A_41 = arith.constant 0.000000e+00 : f32
    %broadcast_in_dim3A_42 = vector.broadcast %broadcast_in_dim3A_41 : f32 to vector<16xf32>
    %swap3A_43 = arith.constant 112 : index
    %swap3A_44 = tpu.vector_load %arg7[%swap3A_43] {strides = array<i32>} : memref<128xf32, #tpu.memory_space<vmem>>, vector<16xf32>,
    %swap3A_45 = vector.shape_cast %swap3A_44 : vector<16xf32> to vector<16xf32>
    %swap3A_46 = vector.shape_cast %broadcast_in_dim3A_42 : vector<16xf32> to vector<16xf32>
    tpu.vector_store %arg7[%swap3A_43], %swap3A_46 {strides = array<i32>} : memref<128xf32, #tpu.memory_space<vmem>>, vector<16xf32>,
    %lt3A = arith.constant 25 : i32
    %lt3A_47 = arith.cmpi slt, %add3A, %lt3A : i32
    %convert_element_type3A = arith.extui %lt3A_47 : i1 to i32
    %cond3A = arith.constant 0 : i32
    %cond3A_48 = arith.cmpi ne, %convert_element_type3A, %cond3A : i32
    scf.if %cond3A_48 {
      %mul3A_49 = arith.constant 8 : i32
      %mul3A_50 = arith.muli %add3A, %mul3A_49 : i32
      "tpu.region"() ({
        %run_scoped3A = tpu.sem_alloc : memref<!tpu.dma_semaphore, #tpu.memory_space<semaphore_mem>>
        %dma_start3A_494 = tpu.memref_slice %arg2[%mul3A_50] : memref<200xi32, #tpu.memory_space<hbm>> -> memref<8xi32, #tpu.memory_space<hbm>>
        %dma_start3A_495 = tpu.memref_slice %arg2[%mul3A_50] : memref<200xi32, #tpu.memory_space<hbm>> -> memref<8xi32, #tpu.memory_space<hbm>>
        tpu.enqueue_dma source(%dma_start3A_495 : memref<8xi32, #tpu.memory_space<hbm>>) target(%arg5 : memref<8xi32, #tpu.memory_space<vmem>>) target_semaphore(%run_scoped3A : memref<!tpu.dma_semaphore, #tpu.memory_space<semaphore_mem>>)
        %dma_wait3A_496 = tpu.memref_slice %arg2[%mul3A_50] : memref<200xi32, #tpu.memory_space<hbm>> -> memref<8xi32, #tpu.memory_space<hbm>>
        %dma_wait3A_497 = tpu.memref_slice %arg2[%mul3A_50] : memref<200xi32, #tpu.memory_space<hbm>> -> memref<8xi32, #tpu.memory_space<hbm>>
        tpu.wait_dma2 semaphore(%run_scoped3A : memref<!tpu.dma_semaphore, #tpu.memory_space<semaphore_mem>>) src(%dma_wait3A_497 : memref<8xi32, #tpu.memory_space<hbm>>) dst(%arg5 : memref<8xi32, #tpu.memory_space<vmem>>)
        tpu.yield
      }) : () -> ()
      %dma_start3A = arith.constant 0 : i32
      %dma_start3A_51 = arith.constant 0 : i32
      %dma_start3A_52 = tpu.memref_slice %arg3[%dma_start3A, %dma_start3A_51] : memref<100000x128xf32, #tpu.memory_space<hbm>> -> memref<100000x128xf32, #tpu.memory_space<hbm>>
      tpu.enqueue_indirect_dma source(%dma_start3A_52 : memref<100000x128xf32, #tpu.memory_space<hbm>>) target(%arg6 : memref<8x128xf32, #tpu.memory_space<vmem>>) offsets(%arg5 : memref<8xi32, #tpu.memory_space<vmem>>) semaphore(%arg8 : memref<!tpu.dma_semaphore, #tpu.memory_space<semaphore_mem>>)
      %dma_wait3A = arith.constant 0 : i32
      %dma_wait3A_53 = arith.constant 0 : i32
      %dma_wait3A_54 = tpu.memref_slice %arg3[%dma_wait3A, %dma_wait3A_53] : memref<100000x128xf32, #tpu.memory_space<hbm>> -> memref<100000x128xf32, #tpu.memory_space<hbm>>
      tpu.wait_indirect_dma semaphore(%arg8 : memref<!tpu.dma_semaphore, #tpu.memory_space<semaphore_mem>>) src(%dma_wait3A_54 : memref<100000x128xf32, #tpu.memory_space<hbm>>) dst(%arg6 : memref<8x128xf32, #tpu.memory_space<vmem>>)
      %get3A = arith.constant 0 : index
      %get3A_55 = tpu.vector_load %arg7[%get3A] {strides = array<i32>} : memref<128xf32, #tpu.memory_space<vmem>>, vector<16xf32>,
      %get3A_56 = vector.shape_cast %get3A_55 : vector<16xf32> to vector<16xf32>
      %get3A_57 = arith.constant 0 : i32
      %get3A_58 = arith.index_cast %get3A_57 : i32 to index
      %get3A_59 = arith.constant 0 : index
      %get3A_60 = tpu.vector_load %arg6[%get3A_58, %get3A_59] {strides = array<i32>} : memref<8x128xf32, #tpu.memory_space<vmem>>, vector<1x16xf32>,
      %get3A_61 = vector.shape_cast %get3A_60 : vector<1x16xf32> to vector<16xf32>
      %add3A_62 = arith.addf %get3A_56, %get3A_61 : vector<16xf32>
      %get3A_63 = arith.constant 1 : i32
      %get3A_64 = arith.index_cast %get3A_63 : i32 to index
      %get3A_65 = arith.constant 0 : index
      %get3A_66 = tpu.vector_load %arg6[%get3A_64, %get3A_65] {strides = array<i32>} : memref<8x128xf32, #tpu.memory_space<vmem>>, vector<1x16xf32>,
      %get3A_67 = vector.shape_cast %get3A_66 : vector<1x16xf32> to vector<16xf32>
      %add3A_68 = arith.addf %add3A_62, %get3A_67 : vector<16xf32>
      %get3A_69 = arith.constant 2 : i32
      %get3A_70 = arith.index_cast %get3A_69 : i32 to index
      %get3A_71 = arith.constant 0 : index
      %get3A_72 = tpu.vector_load %arg6[%get3A_70, %get3A_71] {strides = array<i32>} : memref<8x128xf32, #tpu.memory_space<vmem>>, vector<1x16xf32>,
      %get3A_73 = vector.shape_cast %get3A_72 : vector<1x16xf32> to vector<16xf32>
      %add3A_74 = arith.addf %add3A_68, %get3A_73 : vector<16xf32>
      %get3A_75 = arith.constant 3 : i32
      %get3A_76 = arith.index_cast %get3A_75 : i32 to index
      %get3A_77 = arith.constant 0 : index
      %get3A_78 = tpu.vector_load %arg6[%get3A_76, %get3A_77] {strides = array<i32>} : memref<8x128xf32, #tpu.memory_space<vmem>>, vector<1x16xf32>,
      %get3A_79 = vector.shape_cast %get3A_78 : vector<1x16xf32> to vector<16xf32>
      %add3A_80 = arith.addf %add3A_74, %get3A_79 : vector<16xf32>
      %get3A_81 = arith.constant 4 : i32
      %get3A_82 = arith.index_cast %get3A_81 : i32 to index
      %get3A_83 = arith.constant 0 : index
      %get3A_84 = tpu.vector_load %arg6[%get3A_82, %get3A_83] {strides = array<i32>} : memref<8x128xf32, #tpu.memory_space<vmem>>, vector<1x16xf32>,
      %get3A_85 = vector.shape_cast %get3A_84 : vector<1x16xf32> to vector<16xf32>
      %add3A_86 = arith.addf %add3A_80, %get3A_85 : vector<16xf32>
      %get3A_87 = arith.constant 5 : i32
      %get3A_88 = arith.index_cast %get3A_87 : i32 to index
      %get3A_89 = arith.constant 0 : index
      %get3A_90 = tpu.vector_load %arg6[%get3A_88, %get3A_89] {strides = array<i32>} : memref<8x128xf32, #tpu.memory_space<vmem>>, vector<1x16xf32>,
      %get3A_91 = vector.shape_cast %get3A_90 : vector<1x16xf32> to vector<16xf32>
      %add3A_92 = arith.addf %add3A_86, %get3A_91 : vector<16xf32>
      %get3A_93 = arith.constant 6 : i32
      %get3A_94 = arith.index_cast %get3A_93 : i32 to index
      %get3A_95 = arith.constant 0 : index
      %get3A_96 = tpu.vector_load %arg6[%get3A_94, %get3A_95] {strides = array<i32>} : memref<8x128xf32, #tpu.memory_space<vmem>>, vector<1x16xf32>,
      %get3A_97 = vector.shape_cast %get3A_96 : vector<1x16xf32> to vector<16xf32>
      %add3A_98 = arith.addf %add3A_92, %get3A_97 : vector<16xf32>
      %get3A_99 = arith.constant 7 : i32
      %get3A_100 = arith.index_cast %get3A_99 : i32 to index
      %get3A_101 = arith.constant 0 : index
      %get3A_102 = tpu.vector_load %arg6[%get3A_100, %get3A_101] {strides = array<i32>} : memref<8x128xf32, #tpu.memory_space<vmem>>, vector<1x16xf32>,
      %get3A_103 = vector.shape_cast %get3A_102 : vector<1x16xf32> to vector<16xf32>
      %add3A_104 = arith.addf %add3A_98, %get3A_103 : vector<16xf32>
      %swap3A_105 = arith.constant 0 : index
      %swap3A_106 = tpu.vector_load %arg7[%swap3A_105] {strides = array<i32>} : memref<128xf32, #tpu.memory_space<vmem>>, vector<16xf32>,
      %swap3A_107 = vector.shape_cast %swap3A_106 : vector<16xf32> to vector<16xf32>
      %swap3A_108 = vector.shape_cast %add3A_104 : vector<16xf32> to vector<16xf32>
      tpu.vector_store %arg7[%swap3A_105], %swap3A_108 {strides = array<i32>} : memref<128xf32, #tpu.memory_space<vmem>>, vector<16xf32>,
      %get3A_109 = arith.constant 16 : index
      %get3A_110 = tpu.vector_load %arg7[%get3A_109] {strides = array<i32>} : memref<128xf32, #tpu.memory_space<vmem>>, vector<16xf32>,
      %get3A_111 = vector.shape_cast %get3A_110 : vector<16xf32> to vector<16xf32>
      %get3A_112 = arith.constant 0 : i32
      %get3A_113 = arith.index_cast %get3A_112 : i32 to index
      %get3A_114 = arith.constant 16 : index
      %get3A_115 = tpu.vector_load %arg6[%get3A_113, %get3A_114] {strides = array<i32>} : memref<8x128xf32, #tpu.memory_space<vmem>>, vector<1x16xf32>,
      %get3A_116 = vector.shape_cast %get3A_115 : vector<1x16xf32> to vector<16xf32>
      %add3A_117 = arith.addf %get3A_111, %get3A_116 : vector<16xf32>
      %get3A_118 = arith.constant 1 : i32
      %get3A_119 = arith.index_cast %get3A_118 : i32 to index
      %get3A_120 = arith.constant 16 : index
      %get3A_121 = tpu.vector_load %arg6[%get3A_119, %get3A_120] {strides = array<i32>} : memref<8x128xf32, #tpu.memory_space<vmem>>, vector<1x16xf32>,
      %get3A_122 = vector.shape_cast %get3A_121 : vector<1x16xf32> to vector<16xf32>
      %add3A_123 = arith.addf %add3A_117, %get3A_122 : vector<16xf32>
      %get3A_124 = arith.constant 2 : i32
      %get3A_125 = arith.index_cast %get3A_124 : i32 to index
      %get3A_126 = arith.constant 16 : index
      %get3A_127 = tpu.vector_load %arg6[%get3A_125, %get3A_126] {strides = array<i32>} : memref<8x128xf32, #tpu.memory_space<vmem>>, vector<1x16xf32>,
      %get3A_128 = vector.shape_cast %get3A_127 : vector<1x16xf32> to vector<16xf32>
      %add3A_129 = arith.addf %add3A_123, %get3A_128 : vector<16xf32>
      %get3A_130 = arith.constant 3 : i32
      %get3A_131 = arith.index_cast %get3A_130 : i32 to index
      %get3A_132 = arith.constant 16 : index
      %get3A_133 = tpu.vector_load %arg6[%get3A_131, %get3A_132] {strides = array<i32>} : memref<8x128xf32, #tpu.memory_space<vmem>>, vector<1x16xf32>,
      %get3A_134 = vector.shape_cast %get3A_133 : vector<1x16xf32> to vector<16xf32>
      %add3A_135 = arith.addf %add3A_129, %get3A_134 : vector<16xf32>
      %get3A_136 = arith.constant 4 : i32
      %get3A_137 = arith.index_cast %get3A_136 : i32 to index
      %get3A_138 = arith.constant 16 : index
      %get3A_139 = tpu.vector_load %arg6[%get3A_137, %get3A_138] {strides = array<i32>} : memref<8x128xf32, #tpu.memory_space<vmem>>, vector<1x16xf32>,
      %get3A_140 = vector.shape_cast %get3A_139 : vector<1x16xf32> to vector<16xf32>
      %add3A_141 = arith.addf %add3A_135, %get3A_140 : vector<16xf32>
      %get3A_142 = arith.constant 5 : i32
      %get3A_143 = arith.index_cast %get3A_142 : i32 to index
      %get3A_144 = arith.constant 16 : index
      %get3A_145 = tpu.vector_load %arg6[%get3A_143, %get3A_144] {strides = array<i32>} : memref<8x128xf32, #tpu.memory_space<vmem>>, vector<1x16xf32>,
      %get3A_146 = vector.shape_cast %get3A_145 : vector<1x16xf32> to vector<16xf32>
      %add3A_147 = arith.addf %add3A_141, %get3A_146 : vector<16xf32>
      %get3A_148 = arith.constant 6 : i32
      %get3A_149 = arith.index_cast %get3A_148 : i32 to index
      %get3A_150 = arith.constant 16 : index
      %get3A_151 = tpu.vector_load %arg6[%get3A_149, %get3A_150] {strides = array<i32>} : memref<8x128xf32, #tpu.memory_space<vmem>>, vector<1x16xf32>,
      %get3A_152 = vector.shape_cast %get3A_151 : vector<1x16xf32> to vector<16xf32>
      %add3A_153 = arith.addf %add3A_147, %get3A_152 : vector<16xf32>
      %get3A_154 = arith.constant 7 : i32
      %get3A_155 = arith.index_cast %get3A_154 : i32 to index
      %get3A_156 = arith.constant 16 : index
      %get3A_157 = tpu.vector_load %arg6[%get3A_155, %get3A_156] {strides = array<i32>} : memref<8x128xf32, #tpu.memory_space<vmem>>, vector<1x16xf32>,
      %get3A_158 = vector.shape_cast %get3A_157 : vector<1x16xf32> to vector<16xf32>
      %add3A_159 = arith.addf %add3A_153, %get3A_158 : vector<16xf32>
      %swap3A_160 = arith.constant 16 : index
      %swap3A_161 = tpu.vector_load %arg7[%swap3A_160] {strides = array<i32>} : memref<128xf32, #tpu.memory_space<vmem>>, vector<16xf32>,
      %swap3A_162 = vector.shape_cast %swap3A_161 : vector<16xf32> to vector<16xf32>
      %swap3A_163 = vector.shape_cast %add3A_159 : vector<16xf32> to vector<16xf32>
      tpu.vector_store %arg7[%swap3A_160], %swap3A_163 {strides = array<i32>} : memref<128xf32, #tpu.memory_space<vmem>>, vector<16xf32>,
      %get3A_164 = arith.constant 32 : index
      %get3A_165 = tpu.vector_load %arg7[%get3A_164] {strides = array<i32>} : memref<128xf32, #tpu.memory_space<vmem>>, vector<16xf32>,
      %get3A_166 = vector.shape_cast %get3A_165 : vector<16xf32> to vector<16xf32>
      %get3A_167 = arith.constant 0 : i32
      %get3A_168 = arith.index_cast %get3A_167 : i32 to index
      %get3A_169 = arith.constant 32 : index
      %get3A_170 = tpu.vector_load %arg6[%get3A_168, %get3A_169] {strides = array<i32>} : memref<8x128xf32, #tpu.memory_space<vmem>>, vector<1x16xf32>,
      %get3A_171 = vector.shape_cast %get3A_170 : vector<1x16xf32> to vector<16xf32>
      %add3A_172 = arith.addf %get3A_166, %get3A_171 : vector<16xf32>
      %get3A_173 = arith.constant 1 : i32
      %get3A_174 = arith.index_cast %get3A_173 : i32 to index
      %get3A_175 = arith.constant 32 : index
      %get3A_176 = tpu.vector_load %arg6[%get3A_174, %get3A_175] {strides = array<i32>} : memref<8x128xf32, #tpu.memory_space<vmem>>, vector<1x16xf32>,
      %get3A_177 = vector.shape_cast %get3A_176 : vector<1x16xf32> to vector<16xf32>
      %add3A_178 = arith.addf %add3A_172, %get3A_177 : vector<16xf32>
      %get3A_179 = arith.constant 2 : i32
      %get3A_180 = arith.index_cast %get3A_179 : i32 to index
      %get3A_181 = arith.constant 32 : index
      %get3A_182 = tpu.vector_load %arg6[%get3A_180, %get3A_181] {strides = array<i32>} : memref<8x128xf32, #tpu.memory_space<vmem>>, vector<1x16xf32>,
      %get3A_183 = vector.shape_cast %get3A_182 : vector<1x16xf32> to vector<16xf32>
      %add3A_184 = arith.addf %add3A_178, %get3A_183 : vector<16xf32>
      %get3A_185 = arith.constant 3 : i32
      %get3A_186 = arith.index_cast %get3A_185 : i32 to index
      %get3A_187 = arith.constant 32 : index
      %get3A_188 = tpu.vector_load %arg6[%get3A_186, %get3A_187] {strides = array<i32>} : memref<8x128xf32, #tpu.memory_space<vmem>>, vector<1x16xf32>,
      %get3A_189 = vector.shape_cast %get3A_188 : vector<1x16xf32> to vector<16xf32>
      %add3A_190 = arith.addf %add3A_184, %get3A_189 : vector<16xf32>
      %get3A_191 = arith.constant 4 : i32
      %get3A_192 = arith.index_cast %get3A_191 : i32 to index
      %get3A_193 = arith.constant 32 : index
      %get3A_194 = tpu.vector_load %arg6[%get3A_192, %get3A_193] {strides = array<i32>} : memref<8x128xf32, #tpu.memory_space<vmem>>, vector<1x16xf32>,
      %get3A_195 = vector.shape_cast %get3A_194 : vector<1x16xf32> to vector<16xf32>
      %add3A_196 = arith.addf %add3A_190, %get3A_195 : vector<16xf32>
      %get3A_197 = arith.constant 5 : i32
      %get3A_198 = arith.index_cast %get3A_197 : i32 to index
      %get3A_199 = arith.constant 32 : index
      %get3A_200 = tpu.vector_load %arg6[%get3A_198, %get3A_199] {strides = array<i32>} : memref<8x128xf32, #tpu.memory_space<vmem>>, vector<1x16xf32>,
      %get3A_201 = vector.shape_cast %get3A_200 : vector<1x16xf32> to vector<16xf32>
      %add3A_202 = arith.addf %add3A_196, %get3A_201 : vector<16xf32>
      %get3A_203 = arith.constant 6 : i32
      %get3A_204 = arith.index_cast %get3A_203 : i32 to index
      %get3A_205 = arith.constant 32 : index
      %get3A_206 = tpu.vector_load %arg6[%get3A_204, %get3A_205] {strides = array<i32>} : memref<8x128xf32, #tpu.memory_space<vmem>>, vector<1x16xf32>,
      %get3A_207 = vector.shape_cast %get3A_206 : vector<1x16xf32> to vector<16xf32>
      %add3A_208 = arith.addf %add3A_202, %get3A_207 : vector<16xf32>
      %get3A_209 = arith.constant 7 : i32
      %get3A_210 = arith.index_cast %get3A_209 : i32 to index
      %get3A_211 = arith.constant 32 : index
      %get3A_212 = tpu.vector_load %arg6[%get3A_210, %get3A_211] {strides = array<i32>} : memref<8x128xf32, #tpu.memory_space<vmem>>, vector<1x16xf32>,
      %get3A_213 = vector.shape_cast %get3A_212 : vector<1x16xf32> to vector<16xf32>
      %add3A_214 = arith.addf %add3A_208, %get3A_213 : vector<16xf32>
      %swap3A_215 = arith.constant 32 : index
      %swap3A_216 = tpu.vector_load %arg7[%swap3A_215] {strides = array<i32>} : memref<128xf32, #tpu.memory_space<vmem>>, vector<16xf32>,
      %swap3A_217 = vector.shape_cast %swap3A_216 : vector<16xf32> to vector<16xf32>
      %swap3A_218 = vector.shape_cast %add3A_214 : vector<16xf32> to vector<16xf32>
      tpu.vector_store %arg7[%swap3A_215], %swap3A_218 {strides = array<i32>} : memref<128xf32, #tpu.memory_space<vmem>>, vector<16xf32>,
      %get3A_219 = arith.constant 48 : index
      %get3A_220 = tpu.vector_load %arg7[%get3A_219] {strides = array<i32>} : memref<128xf32, #tpu.memory_space<vmem>>, vector<16xf32>,
      %get3A_221 = vector.shape_cast %get3A_220 : vector<16xf32> to vector<16xf32>
      %get3A_222 = arith.constant 0 : i32
      %get3A_223 = arith.index_cast %get3A_222 : i32 to index
      %get3A_224 = arith.constant 48 : index
      %get3A_225 = tpu.vector_load %arg6[%get3A_223, %get3A_224] {strides = array<i32>} : memref<8x128xf32, #tpu.memory_space<vmem>>, vector<1x16xf32>,
      %get3A_226 = vector.shape_cast %get3A_225 : vector<1x16xf32> to vector<16xf32>
      %add3A_227 = arith.addf %get3A_221, %get3A_226 : vector<16xf32>
      %get3A_228 = arith.constant 1 : i32
      %get3A_229 = arith.index_cast %get3A_228 : i32 to index
      %get3A_230 = arith.constant 48 : index
      %get3A_231 = tpu.vector_load %arg6[%get3A_229, %get3A_230] {strides = array<i32>} : memref<8x128xf32, #tpu.memory_space<vmem>>, vector<1x16xf32>,
      %get3A_232 = vector.shape_cast %get3A_231 : vector<1x16xf32> to vector<16xf32>
      %add3A_233 = arith.addf %add3A_227, %get3A_232 : vector<16xf32>
      %get3A_234 = arith.constant 2 : i32
      %get3A_235 = arith.index_cast %get3A_234 : i32 to index
      %get3A_236 = arith.constant 48 : index
      %get3A_237 = tpu.vector_load %arg6[%get3A_235, %get3A_236] {strides = array<i32>} : memref<8x128xf32, #tpu.memory_space<vmem>>, vector<1x16xf32>,
      %get3A_238 = vector.shape_cast %get3A_237 : vector<1x16xf32> to vector<16xf32>
      %add3A_239 = arith.addf %add3A_233, %get3A_238 : vector<16xf32>
      %get3A_240 = arith.constant 3 : i32
      %get3A_241 = arith.index_cast %get3A_240 : i32 to index
      %get3A_242 = arith.constant 48 : index
      %get3A_243 = tpu.vector_load %arg6[%get3A_241, %get3A_242] {strides = array<i32>} : memref<8x128xf32, #tpu.memory_space<vmem>>, vector<1x16xf32>,
      %get3A_244 = vector.shape_cast %get3A_243 : vector<1x16xf32> to vector<16xf32>
      %add3A_245 = arith.addf %add3A_239, %get3A_244 : vector<16xf32>
      %get3A_246 = arith.constant 4 : i32
      %get3A_247 = arith.index_cast %get3A_246 : i32 to index
      %get3A_248 = arith.constant 48 : index
      %get3A_249 = tpu.vector_load %arg6[%get3A_247, %get3A_248] {strides = array<i32>} : memref<8x128xf32, #tpu.memory_space<vmem>>, vector<1x16xf32>,
      %get3A_250 = vector.shape_cast %get3A_249 : vector<1x16xf32> to vector<16xf32>
      %add3A_251 = arith.addf %add3A_245, %get3A_250 : vector<16xf32>
      %get3A_252 = arith.constant 5 : i32
      %get3A_253 = arith.index_cast %get3A_252 : i32 to index
      %get3A_254 = arith.constant 48 : index
      %get3A_255 = tpu.vector_load %arg6[%get3A_253, %get3A_254] {strides = array<i32>} : memref<8x128xf32, #tpu.memory_space<vmem>>, vector<1x16xf32>,
      %get3A_256 = vector.shape_cast %get3A_255 : vector<1x16xf32> to vector<16xf32>
      %add3A_257 = arith.addf %add3A_251, %get3A_256 : vector<16xf32>
      %get3A_258 = arith.constant 6 : i32
      %get3A_259 = arith.index_cast %get3A_258 : i32 to index
      %get3A_260 = arith.constant 48 : index
      %get3A_261 = tpu.vector_load %arg6[%get3A_259, %get3A_260] {strides = array<i32>} : memref<8x128xf32, #tpu.memory_space<vmem>>, vector<1x16xf32>,
      %get3A_262 = vector.shape_cast %get3A_261 : vector<1x16xf32> to vector<16xf32>
      %add3A_263 = arith.addf %add3A_257, %get3A_262 : vector<16xf32>
      %get3A_264 = arith.constant 7 : i32
      %get3A_265 = arith.index_cast %get3A_264 : i32 to index
      %get3A_266 = arith.constant 48 : index
      %get3A_267 = tpu.vector_load %arg6[%get3A_265, %get3A_266] {strides = array<i32>} : memref<8x128xf32, #tpu.memory_space<vmem>>, vector<1x16xf32>,
      %get3A_268 = vector.shape_cast %get3A_267 : vector<1x16xf32> to vector<16xf32>
      %add3A_269 = arith.addf %add3A_263, %get3A_268 : vector<16xf32>
      %swap3A_270 = arith.constant 48 : index
      %swap3A_271 = tpu.vector_load %arg7[%swap3A_270] {strides = array<i32>} : memref<128xf32, #tpu.memory_space<vmem>>, vector<16xf32>,
      %swap3A_272 = vector.shape_cast %swap3A_271 : vector<16xf32> to vector<16xf32>
      %swap3A_273 = vector.shape_cast %add3A_269 : vector<16xf32> to vector<16xf32>
      tpu.vector_store %arg7[%swap3A_270], %swap3A_273 {strides = array<i32>} : memref<128xf32, #tpu.memory_space<vmem>>, vector<16xf32>,
      %get3A_274 = arith.constant 64 : index
      %get3A_275 = tpu.vector_load %arg7[%get3A_274] {strides = array<i32>} : memref<128xf32, #tpu.memory_space<vmem>>, vector<16xf32>,
      %get3A_276 = vector.shape_cast %get3A_275 : vector<16xf32> to vector<16xf32>
      %get3A_277 = arith.constant 0 : i32
      %get3A_278 = arith.index_cast %get3A_277 : i32 to index
      %get3A_279 = arith.constant 64 : index
      %get3A_280 = tpu.vector_load %arg6[%get3A_278, %get3A_279] {strides = array<i32>} : memref<8x128xf32, #tpu.memory_space<vmem>>, vector<1x16xf32>,
      %get3A_281 = vector.shape_cast %get3A_280 : vector<1x16xf32> to vector<16xf32>
      %add3A_282 = arith.addf %get3A_276, %get3A_281 : vector<16xf32>
      %get3A_283 = arith.constant 1 : i32
      %get3A_284 = arith.index_cast %get3A_283 : i32 to index
      %get3A_285 = arith.constant 64 : index
      %get3A_286 = tpu.vector_load %arg6[%get3A_284, %get3A_285] {strides = array<i32>} : memref<8x128xf32, #tpu.memory_space<vmem>>, vector<1x16xf32>,
      %get3A_287 = vector.shape_cast %get3A_286 : vector<1x16xf32> to vector<16xf32>
      %add3A_288 = arith.addf %add3A_282, %get3A_287 : vector<16xf32>
      %get3A_289 = arith.constant 2 : i32
      %get3A_290 = arith.index_cast %get3A_289 : i32 to index
      %get3A_291 = arith.constant 64 : index
      %get3A_292 = tpu.vector_load %arg6[%get3A_290, %get3A_291] {strides = array<i32>} : memref<8x128xf32, #tpu.memory_space<vmem>>, vector<1x16xf32>,
      %get3A_293 = vector.shape_cast %get3A_292 : vector<1x16xf32> to vector<16xf32>
      %add3A_294 = arith.addf %add3A_288, %get3A_293 : vector<16xf32>
      %get3A_295 = arith.constant 3 : i32
      %get3A_296 = arith.index_cast %get3A_295 : i32 to index
      %get3A_297 = arith.constant 64 : index
      %get3A_298 = tpu.vector_load %arg6[%get3A_296, %get3A_297] {strides = array<i32>} : memref<8x128xf32, #tpu.memory_space<vmem>>, vector<1x16xf32>,
      %get3A_299 = vector.shape_cast %get3A_298 : vector<1x16xf32> to vector<16xf32>
      %add3A_300 = arith.addf %add3A_294, %get3A_299 : vector<16xf32>
      %get3A_301 = arith.constant 4 : i32
      %get3A_302 = arith.index_cast %get3A_301 : i32 to index
      %get3A_303 = arith.constant 64 : index
      %get3A_304 = tpu.vector_load %arg6[%get3A_302, %get3A_303] {strides = array<i32>} : memref<8x128xf32, #tpu.memory_space<vmem>>, vector<1x16xf32>,
      %get3A_305 = vector.shape_cast %get3A_304 : vector<1x16xf32> to vector<16xf32>
      %add3A_306 = arith.addf %add3A_300, %get3A_305 : vector<16xf32>
      %get3A_307 = arith.constant 5 : i32
      %get3A_308 = arith.index_cast %get3A_307 : i32 to index
      %get3A_309 = arith.constant 64 : index
      %get3A_310 = tpu.vector_load %arg6[%get3A_308, %get3A_309] {strides = array<i32>} : memref<8x128xf32, #tpu.memory_space<vmem>>, vector<1x16xf32>,
      %get3A_311 = vector.shape_cast %get3A_310 : vector<1x16xf32> to vector<16xf32>
      %add3A_312 = arith.addf %add3A_306, %get3A_311 : vector<16xf32>
      %get3A_313 = arith.constant 6 : i32
      %get3A_314 = arith.index_cast %get3A_313 : i32 to index
      %get3A_315 = arith.constant 64 : index
      %get3A_316 = tpu.vector_load %arg6[%get3A_314, %get3A_315] {strides = array<i32>} : memref<8x128xf32, #tpu.memory_space<vmem>>, vector<1x16xf32>,
      %get3A_317 = vector.shape_cast %get3A_316 : vector<1x16xf32> to vector<16xf32>
      %add3A_318 = arith.addf %add3A_312, %get3A_317 : vector<16xf32>
      %get3A_319 = arith.constant 7 : i32
      %get3A_320 = arith.index_cast %get3A_319 : i32 to index
      %get3A_321 = arith.constant 64 : index
      %get3A_322 = tpu.vector_load %arg6[%get3A_320, %get3A_321] {strides = array<i32>} : memref<8x128xf32, #tpu.memory_space<vmem>>, vector<1x16xf32>,
      %get3A_323 = vector.shape_cast %get3A_322 : vector<1x16xf32> to vector<16xf32>
      %add3A_324 = arith.addf %add3A_318, %get3A_323 : vector<16xf32>
      %swap3A_325 = arith.constant 64 : index
      %swap3A_326 = tpu.vector_load %arg7[%swap3A_325] {strides = array<i32>} : memref<128xf32, #tpu.memory_space<vmem>>, vector<16xf32>,
      %swap3A_327 = vector.shape_cast %swap3A_326 : vector<16xf32> to vector<16xf32>
      %swap3A_328 = vector.shape_cast %add3A_324 : vector<16xf32> to vector<16xf32>
      tpu.vector_store %arg7[%swap3A_325], %swap3A_328 {strides = array<i32>} : memref<128xf32, #tpu.memory_space<vmem>>, vector<16xf32>,
      %get3A_329 = arith.constant 80 : index
      %get3A_330 = tpu.vector_load %arg7[%get3A_329] {strides = array<i32>} : memref<128xf32, #tpu.memory_space<vmem>>, vector<16xf32>,
      %get3A_331 = vector.shape_cast %get3A_330 : vector<16xf32> to vector<16xf32>
      %get3A_332 = arith.constant 0 : i32
      %get3A_333 = arith.index_cast %get3A_332 : i32 to index
      %get3A_334 = arith.constant 80 : index
      %get3A_335 = tpu.vector_load %arg6[%get3A_333, %get3A_334] {strides = array<i32>} : memref<8x128xf32, #tpu.memory_space<vmem>>, vector<1x16xf32>,
      %get3A_336 = vector.shape_cast %get3A_335 : vector<1x16xf32> to vector<16xf32>
      %add3A_337 = arith.addf %get3A_331, %get3A_336 : vector<16xf32>
      %get3A_338 = arith.constant 1 : i32
      %get3A_339 = arith.index_cast %get3A_338 : i32 to index
      %get3A_340 = arith.constant 80 : index
      %get3A_341 = tpu.vector_load %arg6[%get3A_339, %get3A_340] {strides = array<i32>} : memref<8x128xf32, #tpu.memory_space<vmem>>, vector<1x16xf32>,
      %get3A_342 = vector.shape_cast %get3A_341 : vector<1x16xf32> to vector<16xf32>
      %add3A_343 = arith.addf %add3A_337, %get3A_342 : vector<16xf32>
      %get3A_344 = arith.constant 2 : i32
      %get3A_345 = arith.index_cast %get3A_344 : i32 to index
      %get3A_346 = arith.constant 80 : index
      %get3A_347 = tpu.vector_load %arg6[%get3A_345, %get3A_346] {strides = array<i32>} : memref<8x128xf32, #tpu.memory_space<vmem>>, vector<1x16xf32>,
      %get3A_348 = vector.shape_cast %get3A_347 : vector<1x16xf32> to vector<16xf32>
      %add3A_349 = arith.addf %add3A_343, %get3A_348 : vector<16xf32>
      %get3A_350 = arith.constant 3 : i32
      %get3A_351 = arith.index_cast %get3A_350 : i32 to index
      %get3A_352 = arith.constant 80 : index
      %get3A_353 = tpu.vector_load %arg6[%get3A_351, %get3A_352] {strides = array<i32>} : memref<8x128xf32, #tpu.memory_space<vmem>>, vector<1x16xf32>,
      %get3A_354 = vector.shape_cast %get3A_353 : vector<1x16xf32> to vector<16xf32>
      %add3A_355 = arith.addf %add3A_349, %get3A_354 : vector<16xf32>
      %get3A_356 = arith.constant 4 : i32
      %get3A_357 = arith.index_cast %get3A_356 : i32 to index
      %get3A_358 = arith.constant 80 : index
      %get3A_359 = tpu.vector_load %arg6[%get3A_357, %get3A_358] {strides = array<i32>} : memref<8x128xf32, #tpu.memory_space<vmem>>, vector<1x16xf32>,
      %get3A_360 = vector.shape_cast %get3A_359 : vector<1x16xf32> to vector<16xf32>
      %add3A_361 = arith.addf %add3A_355, %get3A_360 : vector<16xf32>
      %get3A_362 = arith.constant 5 : i32
      %get3A_363 = arith.index_cast %get3A_362 : i32 to index
      %get3A_364 = arith.constant 80 : index
      %get3A_365 = tpu.vector_load %arg6[%get3A_363, %get3A_364] {strides = array<i32>} : memref<8x128xf32, #tpu.memory_space<vmem>>, vector<1x16xf32>,
      %get3A_366 = vector.shape_cast %get3A_365 : vector<1x16xf32> to vector<16xf32>
      %add3A_367 = arith.addf %add3A_361, %get3A_366 : vector<16xf32>
      %get3A_368 = arith.constant 6 : i32
      %get3A_369 = arith.index_cast %get3A_368 : i32 to index
      %get3A_370 = arith.constant 80 : index
      %get3A_371 = tpu.vector_load %arg6[%get3A_369, %get3A_370] {strides = array<i32>} : memref<8x128xf32, #tpu.memory_space<vmem>>, vector<1x16xf32>,
      %get3A_372 = vector.shape_cast %get3A_371 : vector<1x16xf32> to vector<16xf32>
      %add3A_373 = arith.addf %add3A_367, %get3A_372 : vector<16xf32>
      %get3A_374 = arith.constant 7 : i32
      %get3A_375 = arith.index_cast %get3A_374 : i32 to index
      %get3A_376 = arith.constant 80 : index
      %get3A_377 = tpu.vector_load %arg6[%get3A_375, %get3A_376] {strides = array<i32>} : memref<8x128xf32, #tpu.memory_space<vmem>>, vector<1x16xf32>,
      %get3A_378 = vector.shape_cast %get3A_377 : vector<1x16xf32> to vector<16xf32>
      %add3A_379 = arith.addf %add3A_373, %get3A_378 : vector<16xf32>
      %swap3A_380 = arith.constant 80 : index
      %swap3A_381 = tpu.vector_load %arg7[%swap3A_380] {strides = array<i32>} : memref<128xf32, #tpu.memory_space<vmem>>, vector<16xf32>,
      %swap3A_382 = vector.shape_cast %swap3A_381 : vector<16xf32> to vector<16xf32>
      %swap3A_383 = vector.shape_cast %add3A_379 : vector<16xf32> to vector<16xf32>
      tpu.vector_store %arg7[%swap3A_380], %swap3A_383 {strides = array<i32>} : memref<128xf32, #tpu.memory_space<vmem>>, vector<16xf32>,
      %get3A_384 = arith.constant 96 : index
      %get3A_385 = tpu.vector_load %arg7[%get3A_384] {strides = array<i32>} : memref<128xf32, #tpu.memory_space<vmem>>, vector<16xf32>,
      %get3A_386 = vector.shape_cast %get3A_385 : vector<16xf32> to vector<16xf32>
      %get3A_387 = arith.constant 0 : i32
      %get3A_388 = arith.index_cast %get3A_387 : i32 to index
      %get3A_389 = arith.constant 96 : index
      %get3A_390 = tpu.vector_load %arg6[%get3A_388, %get3A_389] {strides = array<i32>} : memref<8x128xf32, #tpu.memory_space<vmem>>, vector<1x16xf32>,
      %get3A_391 = vector.shape_cast %get3A_390 : vector<1x16xf32> to vector<16xf32>
      %add3A_392 = arith.addf %get3A_386, %get3A_391 : vector<16xf32>
      %get3A_393 = arith.constant 1 : i32
      %get3A_394 = arith.index_cast %get3A_393 : i32 to index
      %get3A_395 = arith.constant 96 : index
      %get3A_396 = tpu.vector_load %arg6[%get3A_394, %get3A_395] {strides = array<i32>} : memref<8x128xf32, #tpu.memory_space<vmem>>, vector<1x16xf32>,
      %get3A_397 = vector.shape_cast %get3A_396 : vector<1x16xf32> to vector<16xf32>
      %add3A_398 = arith.addf %add3A_392, %get3A_397 : vector<16xf32>
      %get3A_399 = arith.constant 2 : i32
      %get3A_400 = arith.index_cast %get3A_399 : i32 to index
      %get3A_401 = arith.constant 96 : index
      %get3A_402 = tpu.vector_load %arg6[%get3A_400, %get3A_401] {strides = array<i32>} : memref<8x128xf32, #tpu.memory_space<vmem>>, vector<1x16xf32>,
      %get3A_403 = vector.shape_cast %get3A_402 : vector<1x16xf32> to vector<16xf32>
      %add3A_404 = arith.addf %add3A_398, %get3A_403 : vector<16xf32>
      %get3A_405 = arith.constant 3 : i32
      %get3A_406 = arith.index_cast %get3A_405 : i32 to index
      %get3A_407 = arith.constant 96 : index
      %get3A_408 = tpu.vector_load %arg6[%get3A_406, %get3A_407] {strides = array<i32>} : memref<8x128xf32, #tpu.memory_space<vmem>>, vector<1x16xf32>,
      %get3A_409 = vector.shape_cast %get3A_408 : vector<1x16xf32> to vector<16xf32>
      %add3A_410 = arith.addf %add3A_404, %get3A_409 : vector<16xf32>
      %get3A_411 = arith.constant 4 : i32
      %get3A_412 = arith.index_cast %get3A_411 : i32 to index
      %get3A_413 = arith.constant 96 : index
      %get3A_414 = tpu.vector_load %arg6[%get3A_412, %get3A_413] {strides = array<i32>} : memref<8x128xf32, #tpu.memory_space<vmem>>, vector<1x16xf32>,
      %get3A_415 = vector.shape_cast %get3A_414 : vector<1x16xf32> to vector<16xf32>
      %add3A_416 = arith.addf %add3A_410, %get3A_415 : vector<16xf32>
      %get3A_417 = arith.constant 5 : i32
      %get3A_418 = arith.index_cast %get3A_417 : i32 to index
      %get3A_419 = arith.constant 96 : index
      %get3A_420 = tpu.vector_load %arg6[%get3A_418, %get3A_419] {strides = array<i32>} : memref<8x128xf32, #tpu.memory_space<vmem>>, vector<1x16xf32>,
      %get3A_421 = vector.shape_cast %get3A_420 : vector<1x16xf32> to vector<16xf32>
      %add3A_422 = arith.addf %add3A_416, %get3A_421 : vector<16xf32>
      %get3A_423 = arith.constant 6 : i32
      %get3A_424 = arith.index_cast %get3A_423 : i32 to index
      %get3A_425 = arith.constant 96 : index
      %get3A_426 = tpu.vector_load %arg6[%get3A_424, %get3A_425] {strides = array<i32>} : memref<8x128xf32, #tpu.memory_space<vmem>>, vector<1x16xf32>,
      %get3A_427 = vector.shape_cast %get3A_426 : vector<1x16xf32> to vector<16xf32>
      %add3A_428 = arith.addf %add3A_422, %get3A_427 : vector<16xf32>
      %get3A_429 = arith.constant 7 : i32
      %get3A_430 = arith.index_cast %get3A_429 : i32 to index
      %get3A_431 = arith.constant 96 : index
      %get3A_432 = tpu.vector_load %arg6[%get3A_430, %get3A_431] {strides = array<i32>} : memref<8x128xf32, #tpu.memory_space<vmem>>, vector<1x16xf32>,
      %get3A_433 = vector.shape_cast %get3A_432 : vector<1x16xf32> to vector<16xf32>
      %add3A_434 = arith.addf %add3A_428, %get3A_433 : vector<16xf32>
      %swap3A_435 = arith.constant 96 : index
      %swap3A_436 = tpu.vector_load %arg7[%swap3A_435] {strides = array<i32>} : memref<128xf32, #tpu.memory_space<vmem>>, vector<16xf32>,
      %swap3A_437 = vector.shape_cast %swap3A_436 : vector<16xf32> to vector<16xf32>
      %swap3A_438 = vector.shape_cast %add3A_434 : vector<16xf32> to vector<16xf32>
      tpu.vector_store %arg7[%swap3A_435], %swap3A_438 {strides = array<i32>} : memref<128xf32, #tpu.memory_space<vmem>>, vector<16xf32>,
      %get3A_439 = arith.constant 112 : index
      %get3A_440 = tpu.vector_load %arg7[%get3A_439] {strides = array<i32>} : memref<128xf32, #tpu.memory_space<vmem>>, vector<16xf32>,
      %get3A_441 = vector.shape_cast %get3A_440 : vector<16xf32> to vector<16xf32>
      %get3A_442 = arith.constant 0 : i32
      %get3A_443 = arith.index_cast %get3A_442 : i32 to index
      %get3A_444 = arith.constant 112 : index
      %get3A_445 = tpu.vector_load %arg6[%get3A_443, %get3A_444] {strides = array<i32>} : memref<8x128xf32, #tpu.memory_space<vmem>>, vector<1x16xf32>,
      %get3A_446 = vector.shape_cast %get3A_445 : vector<1x16xf32> to vector<16xf32>
      %add3A_447 = arith.addf %get3A_441, %get3A_446 : vector<16xf32>
      %get3A_448 = arith.constant 1 : i32
      %get3A_449 = arith.index_cast %get3A_448 : i32 to index
      %get3A_450 = arith.constant 112 : index
      %get3A_451 = tpu.vector_load %arg6[%get3A_449, %get3A_450] {strides = array<i32>} : memref<8x128xf32, #tpu.memory_space<vmem>>, vector<1x16xf32>,
      %get3A_452 = vector.shape_cast %get3A_451 : vector<1x16xf32> to vector<16xf32>
      %add3A_453 = arith.addf %add3A_447, %get3A_452 : vector<16xf32>
      %get3A_454 = arith.constant 2 : i32
      %get3A_455 = arith.index_cast %get3A_454 : i32 to index
      %get3A_456 = arith.constant 112 : index
      %get3A_457 = tpu.vector_load %arg6[%get3A_455, %get3A_456] {strides = array<i32>} : memref<8x128xf32, #tpu.memory_space<vmem>>, vector<1x16xf32>,
      %get3A_458 = vector.shape_cast %get3A_457 : vector<1x16xf32> to vector<16xf32>
      %add3A_459 = arith.addf %add3A_453, %get3A_458 : vector<16xf32>
      %get3A_460 = arith.constant 3 : i32
      %get3A_461 = arith.index_cast %get3A_460 : i32 to index
      %get3A_462 = arith.constant 112 : index
      %get3A_463 = tpu.vector_load %arg6[%get3A_461, %get3A_462] {strides = array<i32>} : memref<8x128xf32, #tpu.memory_space<vmem>>, vector<1x16xf32>,
      %get3A_464 = vector.shape_cast %get3A_463 : vector<1x16xf32> to vector<16xf32>
      %add3A_465 = arith.addf %add3A_459, %get3A_464 : vector<16xf32>
      %get3A_466 = arith.constant 4 : i32
      %get3A_467 = arith.index_cast %get3A_466 : i32 to index
      %get3A_468 = arith.constant 112 : index
      %get3A_469 = tpu.vector_load %arg6[%get3A_467, %get3A_468] {strides = array<i32>} : memref<8x128xf32, #tpu.memory_space<vmem>>, vector<1x16xf32>,
      %get3A_470 = vector.shape_cast %get3A_469 : vector<1x16xf32> to vector<16xf32>
      %add3A_471 = arith.addf %add3A_465, %get3A_470 : vector<16xf32>
      %get3A_472 = arith.constant 5 : i32
      %get3A_473 = arith.index_cast %get3A_472 : i32 to index
      %get3A_474 = arith.constant 112 : index
      %get3A_475 = tpu.vector_load %arg6[%get3A_473, %get3A_474] {strides = array<i32>} : memref<8x128xf32, #tpu.memory_space<vmem>>, vector<1x16xf32>,
      %get3A_476 = vector.shape_cast %get3A_475 : vector<1x16xf32> to vector<16xf32>
      %add3A_477 = arith.addf %add3A_471, %get3A_476 : vector<16xf32>
      %get3A_478 = arith.constant 6 : i32
      %get3A_479 = arith.index_cast %get3A_478 : i32 to index
      %get3A_480 = arith.constant 112 : index
      %get3A_481 = tpu.vector_load %arg6[%get3A_479, %get3A_480] {strides = array<i32>} : memref<8x128xf32, #tpu.memory_space<vmem>>, vector<1x16xf32>,
      %get3A_482 = vector.shape_cast %get3A_481 : vector<1x16xf32> to vector<16xf32>
      %add3A_483 = arith.addf %add3A_477, %get3A_482 : vector<16xf32>
      %get3A_484 = arith.constant 7 : i32
      %get3A_485 = arith.index_cast %get3A_484 : i32 to index
      %get3A_486 = arith.constant 112 : index
      %get3A_487 = tpu.vector_load %arg6[%get3A_485, %get3A_486] {strides = array<i32>} : memref<8x128xf32, #tpu.memory_space<vmem>>, vector<1x16xf32>,
      %get3A_488 = vector.shape_cast %get3A_487 : vector<1x16xf32> to vector<16xf32>
      %add3A_489 = arith.addf %add3A_483, %get3A_488 : vector<16xf32>
      %swap3A_490 = arith.constant 112 : index
      %swap3A_491 = tpu.vector_load %arg7[%swap3A_490] {strides = array<i32>} : memref<128xf32, #tpu.memory_space<vmem>>, vector<16xf32>,
      %swap3A_492 = vector.shape_cast %swap3A_491 : vector<16xf32> to vector<16xf32>
      %swap3A_493 = vector.shape_cast %add3A_489 : vector<16xf32> to vector<16xf32>
      tpu.vector_store %arg7[%swap3A_490], %swap3A_493 {strides = array<i32>} : memref<128xf32, #tpu.memory_space<vmem>>, vector<16xf32>,
    } else {
    }
    "tpu.region"() ({
      %run_scoped3A = tpu.sem_alloc : memref<!tpu.dma_semaphore, #tpu.memory_space<semaphore_mem>>
      %dma_start3A = arith.constant 0 : i32
      %dma_start3A_49 = tpu.memref_slice %arg4[%add3A, %dma_start3A] : memref<32x128xf32, #tpu.memory_space<hbm>> -> memref<1x128xf32, #tpu.memory_space<hbm>>
      %dma_start3A_50 = tpu.memref_squeeze %dma_start3A_49 : memref<1x128xf32, #tpu.memory_space<hbm>> -> memref<128xf32, #tpu.memory_space<hbm>>
      %dma_start3A_51 = arith.constant 0 : i32
      %dma_start3A_52 = tpu.memref_slice %arg4[%add3A, %dma_start3A_51] : memref<32x128xf32, #tpu.memory_space<hbm>> -> memref<1x128xf32, #tpu.memory_space<hbm>>
      %dma_start3A_53 = tpu.memref_squeeze %dma_start3A_52 : memref<1x128xf32, #tpu.memory_space<hbm>> -> memref<128xf32, #tpu.memory_space<hbm>>
      tpu.enqueue_dma source(%arg7 : memref<128xf32, #tpu.memory_space<vmem>>) target(%dma_start3A_53 : memref<128xf32, #tpu.memory_space<hbm>>) target_semaphore(%run_scoped3A : memref<!tpu.dma_semaphore, #tpu.memory_space<semaphore_mem>>)
      %dma_wait3A = arith.constant 0 : i32
      %dma_wait3A_54 = tpu.memref_slice %arg4[%add3A, %dma_wait3A] : memref<32x128xf32, #tpu.memory_space<hbm>> -> memref<1x128xf32, #tpu.memory_space<hbm>>
      %dma_wait3A_55 = tpu.memref_squeeze %dma_wait3A_54 : memref<1x128xf32, #tpu.memory_space<hbm>> -> memref<128xf32, #tpu.memory_space<hbm>>
      %dma_wait3A_56 = arith.constant 0 : i32
      %dma_wait3A_57 = tpu.memref_slice %arg4[%add3A, %dma_wait3A_56] : memref<32x128xf32, #tpu.memory_space<hbm>> -> memref<1x128xf32, #tpu.memory_space<hbm>>
      %dma_wait3A_58 = tpu.memref_squeeze %dma_wait3A_57 : memref<1x128xf32, #tpu.memory_space<hbm>> -> memref<128xf32, #tpu.memory_space<hbm>>
      tpu.wait_dma2 semaphore(%run_scoped3A : memref<!tpu.dma_semaphore, #tpu.memory_space<semaphore_mem>>) src(%arg7 : memref<128xf32, #tpu.memory_space<vmem>>) dst(%dma_wait3A_58 : memref<128xf32, #tpu.memory_space<hbm>>)
      tpu.yield
    }) : () -> ()
    return
  }
}

module attributes {stable_mosaic.version = 14 : i64} {
  func.func @_tc_body(%arg0: i32, %arg1: memref<32x128xf32, #tpu.memory_space<vmem>>, %arg2: memref<128x128xf32, #tpu.memory_space<vmem>>, %arg3: memref<1x128xf32, #tpu.memory_space<vmem>>, %arg4: memref<12800x128xf32, #tpu.memory_space<vmem>>, %arg5: memref<1x12800xf32, #tpu.memory_space<vmem>>, %arg6: memref<1x100000xf32, #tpu.memory_space<vmem>>, %arg7: memref<1x102400xf32, #tpu.memory_space<vmem>>, %arg8: memref<2x128xbf16, #tpu.memory_space<vmem>>, %arg9: memref<1x1xf32, #tpu.memory_space<vmem>>, %arg10: memref<1x1xf32, #tpu.memory_space<vmem>>) attributes {dimension_semantics = [#tpu.dimension_semantics<arbitrary>], iteration_bounds = array<i64: 8>, scalar_prefetch = 0 : i64, scratch_operands = 4 : i64, tpu.core_type = #tpu.core_type<tc>, window_params = [{pipeline_mode = #tpu.pipeline_mode<synchronous>, transform_indices = @transform_0, window_bounds = array<i64: 32, 128>}, {pipeline_mode = #tpu.pipeline_mode<synchronous>, transform_indices = @transform_1, window_bounds = array<i64: 128, 128>}, {pipeline_mode = #tpu.pipeline_mode<synchronous>, transform_indices = @transform_2, window_bounds = array<i64: 1, 128>}, {transform_indices = @transform_3, window_bounds = array<i64: 12800, 128>}, {transform_indices = @transform_4, window_bounds = array<i64: 1, 12800>}, {pipeline_mode = #tpu.pipeline_mode<synchronous>, transform_indices = @transform_5, window_bounds = array<i64: 1, 100000>}]} {
    %eq3A = arith.constant 0 : i32
    %eq3A_0 = arith.cmpi eq, %arg0, %eq3A : i32
    %convert_element_type3A = arith.extui %eq3A_0 : i1 to i32
    %cond3A = arith.constant 0 : i32
    %cond3A_1 = arith.cmpi ne, %convert_element_type3A, %cond3A : i32
    scf.if %cond3A_1 {
      %get3A_55 = arith.constant 0 : index
      %get3A_56 = arith.constant 0 : index
      %get3A_57 = vector.load %arg1[%get3A_55, %get3A_56] : memref<32x128xf32, #tpu.memory_space<vmem>>, vector<32x128xf32>
      %reduce_sum3A_58 = arith.constant dense<0.000000e+00> : vector<128xf32>
      %reduce_sum3A_59 = vector.multi_reduction <add>, %get3A_57, %reduce_sum3A_58 [0] : vector<32x128xf32> to vector<128xf32>
      %broadcast_in_dim3A_60 = vector.shape_cast %reduce_sum3A_59 : vector<128xf32> to vector<1x128xf32>
      %get3A_61 = arith.constant 0 : index
      %get3A_62 = arith.constant 0 : index
      %get3A_63 = vector.load %arg2[%get3A_61, %get3A_62] : memref<128x128xf32, #tpu.memory_space<vmem>>, vector<128x128xf32>
      %dot_general3A_64 = arith.constant dense<0.000000e+00> : vector<1x128xf32>
      %dot_general3A_65 = tpu.matmul %broadcast_in_dim3A_60, %get3A_63, %dot_general3A_64 {dimension_numbers = #tpu.dot_dimension_numbers<[1], [1], [0], [0], [0, 0, 1, 0], [], []>, transpose_lhs_hint = false} : vector<1x128xf32>, vector<128x128xf32>, vector<1x128xf32> -> vector<1x128xf32>
      %get3A_66 = arith.constant 0 : index
      %get3A_67 = arith.constant 0 : index
      %get3A_68 = vector.load %arg3[%get3A_66, %get3A_67] : memref<1x128xf32, #tpu.memory_space<vmem>>, vector<1x128xf32>
      %add3A_69 = arith.addf %dot_general3A_65, %get3A_68 : vector<1x128xf32>
      %max3A_70 = arith.constant 0.000000e+00 : f32
      %max3A_71 = vector.broadcast %max3A_70 : f32 to vector<1x128xf32>
      %max3A_72 = arith.maximumf %add3A_69, %max3A_71 : vector<1x128xf32>
      %convert_element_type3A_73 = arith.truncf %max3A_72 : vector<1x128xf32> to vector<1x128xbf16>
      %convert_element_type3A_74 = arith.extf %convert_element_type3A_73 : vector<1x128xbf16> to vector<1x128xf32>
      %sub3A_75 = arith.subf %max3A_72, %convert_element_type3A_74 : vector<1x128xf32>
      %convert_element_type3A_76 = arith.truncf %sub3A_75 : vector<1x128xf32> to vector<1x128xbf16>
      %concatenate3A = tpu.concatenate %convert_element_type3A_73, %convert_element_type3A_76 in 0 : vector<1x128xbf16>, vector<1x128xbf16> -> vector<2x128xbf16>
      %swap3A_77 = arith.constant 0 : index
      %swap3A_78 = arith.constant 0 : index
      %swap3A_79 = vector.load %arg8[%swap3A_77, %swap3A_78] : memref<2x128xbf16, #tpu.memory_space<vmem>>, vector<2x128xbf16>
      tpu.vector_store %arg8[%swap3A_77, %swap3A_78], %concatenate3A {strides = array<i32>} : memref<2x128xbf16, #tpu.memory_space<vmem>>, vector<2x128xbf16>,
      %broadcast_in_dim3A_80 = arith.constant -1.000000e+30 : f32
      %broadcast_in_dim3A_81 = vector.broadcast %broadcast_in_dim3A_80 : f32 to vector<1x1xf32>
      %swap3A_82 = arith.constant 0 : index
      %swap3A_83 = arith.constant 0 : index
      %swap3A_84 = vector.load %arg9[%swap3A_82, %swap3A_83] : memref<1x1xf32, #tpu.memory_space<vmem>>, vector<1x1xf32>
      tpu.vector_store %arg9[%swap3A_82, %swap3A_83], %broadcast_in_dim3A_81 {strides = array<i32>} : memref<1x1xf32, #tpu.memory_space<vmem>>, vector<1x1xf32>,
      %broadcast_in_dim3A_85 = arith.constant 0.000000e+00 : f32
      %broadcast_in_dim3A_86 = vector.broadcast %broadcast_in_dim3A_85 : f32 to vector<1x1xf32>
      %swap3A_87 = arith.constant 0 : index
      %swap3A_88 = arith.constant 0 : index
      %swap3A_89 = vector.load %arg10[%swap3A_87, %swap3A_88] : memref<1x1xf32, #tpu.memory_space<vmem>>, vector<1x1xf32>
      tpu.vector_store %arg10[%swap3A_87, %swap3A_88], %broadcast_in_dim3A_86 {strides = array<i32>} : memref<1x1xf32, #tpu.memory_space<vmem>>, vector<1x1xf32>,
    } else {
    }
    %get3A = arith.constant 0 : index
    %get3A_2 = arith.constant 0 : index
    %get3A_3 = vector.load %arg8[%get3A, %get3A_2] : memref<2x128xbf16, #tpu.memory_space<vmem>>, vector<2x128xbf16>
    %get3A_4 = arith.constant 0 : index
    %get3A_5 = arith.constant 0 : index
    %get3A_6 = vector.load %arg4[%get3A_4, %get3A_5] : memref<12800x128xf32, #tpu.memory_space<vmem>>, vector<12800x128xf32>
    %convert_element_type3A_7 = arith.truncf %get3A_6 : vector<12800x128xf32> to vector<12800x128xbf16>
    %dot_general3A = arith.constant dense<0.000000e+00> : vector<2x12800xf32>
    %dot_general3A_8 = tpu.matmul %get3A_3, %convert_element_type3A_7, %dot_general3A {dimension_numbers = #tpu.dot_dimension_numbers<[1], [1], [0], [0], [0, 0, 1, 0], [], []>, transpose_lhs_hint = false} : vector<2x128xbf16>, vector<12800x128xbf16>, vector<2x12800xf32> -> vector<2x12800xf32>
    %slice3A = vector.extract_strided_slice %dot_general3A_8 {offsets = [0, 0], sizes = [1, 12800], strides = [1, 1]} : vector<2x12800xf32> to vector<1x12800xf32>
    %slice3A_9 = vector.extract_strided_slice %dot_general3A_8 {offsets = [1, 0], sizes = [1, 12800], strides = [1, 1]} : vector<2x12800xf32> to vector<1x12800xf32>
    %add3A = arith.addf %slice3A, %slice3A_9 : vector<1x12800xf32>
    %get3A_10 = arith.constant 0 : index
    %get3A_11 = arith.constant 0 : index
    %get3A_12 = vector.load %arg5[%get3A_10, %get3A_11] : memref<1x12800xf32, #tpu.memory_space<vmem>>, vector<1x12800xf32>
    %add3A_13 = arith.addf %add3A, %get3A_12 : vector<1x12800xf32>
    %mul3A = arith.constant 12800 : i32
    %mul3A_14 = arith.muli %arg0, %mul3A : i32
    %multiple_of3A = tpu.assume_multiple %mul3A_14, 128 : i32
    %swap3A = arith.constant 0 : index
    %swap3A_15 = arith.index_cast %multiple_of3A : i32 to index
    %swap3A_16 = vector.load %arg7[%swap3A, %swap3A_15] : memref<1x102400xf32, #tpu.memory_space<vmem>>, vector<1x12800xf32>
    tpu.vector_store %arg7[%swap3A, %swap3A_15], %add3A_13 {strides = array<i32>} : memref<1x102400xf32, #tpu.memory_space<vmem>>, vector<1x12800xf32>,
    %mul3A_17 = arith.constant 12800 : i32
    %mul3A_18 = arith.muli %arg0, %mul3A_17 : i32
    %iota3A = tpu.iota {dimensions = array<i32: 1>} : vector<1x12800xi32>
    %add3A_19 = vector.broadcast %mul3A_18 : i32 to vector<1x12800xi32>
    %add3A_20 = arith.addi %add3A_19, %iota3A : vector<1x12800xi32>
    %lt3A = arith.constant 100000 : i32
    %lt3A_21 = vector.broadcast %lt3A : i32 to vector<1x12800xi32>
    %lt3A_22 = arith.cmpi slt, %add3A_20, %lt3A_21 : vector<1x12800xi32>
    %jit3A = arith.constant -1.000000e+30 : f32
    %broadcast_in_dim3A = vector.broadcast %jit3A : f32 to vector<1x12800xf32>
    %select_n3A = arith.select %lt3A_22, %add3A_13, %broadcast_in_dim3A : vector<1x12800xi1>, vector<1x12800xf32>
    %get3A_23 = arith.constant 0 : index
    %get3A_24 = arith.constant 0 : index
    %get3A_25 = vector.load %arg9[%get3A_23, %get3A_24] : memref<1x1xf32, #tpu.memory_space<vmem>>, vector<1x1xf32>
    %reduce_max3A = vector.shape_cast %select_n3A : vector<1x12800xf32> to vector<1x1x12800xf32>
    %reduce_max3A_26 = arith.constant dense<0xFF800000> : vector<1xf32>
    %reduce_max3A_27 = vector.multi_reduction <maximumf>, %reduce_max3A, %reduce_max3A_26 [1, 2] : vector<1x1x12800xf32> to vector<1xf32>
    %reduce_max3A_28 = vector.shape_cast %reduce_max3A_27 : vector<1xf32> to vector<1x1x1xf32>
    %reduce_max3A_29 = vector.extract %reduce_max3A_28[0, 0, 0] : f32 from vector<1x1x1xf32>
    %broadcast_in_dim3A_30 = vector.broadcast %reduce_max3A_29 : f32 to vector<1x1xf32>
    %max3A = arith.maximumf %get3A_25, %broadcast_in_dim3A_30 : vector<1x1xf32>
    %get3A_31 = arith.constant 0 : index
    %get3A_32 = arith.constant 0 : index
    %get3A_33 = vector.load %arg10[%get3A_31, %get3A_32] : memref<1x1xf32, #tpu.memory_space<vmem>>, vector<1x1xf32>
    %sub3A = arith.subf %get3A_25, %max3A : vector<1x1xf32>
    %exp3A = math.exp %sub3A : vector<1x1xf32>
    %mul3A_34 = arith.mulf %get3A_33, %exp3A : vector<1x1xf32>
    %sub3A_35 = vector.broadcast %max3A : vector<1x1xf32> to vector<1x12800xf32>
    %sub3A_36 = arith.subf %select_n3A, %sub3A_35 : vector<1x12800xf32>
    %exp3A_37 = math.exp %sub3A_36 : vector<1x12800xf32>
    %reduce_sum3A = vector.shape_cast %exp3A_37 : vector<1x12800xf32> to vector<1x1x12800xf32>
    %reduce_sum3A_38 = arith.constant dense<0.000000e+00> : vector<1xf32>
    %reduce_sum3A_39 = vector.multi_reduction <add>, %reduce_sum3A, %reduce_sum3A_38 [1, 2] : vector<1x1x12800xf32> to vector<1xf32>
    %reduce_sum3A_40 = vector.shape_cast %reduce_sum3A_39 : vector<1xf32> to vector<1x1x1xf32>
    %reduce_sum3A_41 = vector.extract %reduce_sum3A_40[0, 0, 0] : f32 from vector<1x1x1xf32>
    %broadcast_in_dim3A_42 = vector.broadcast %reduce_sum3A_41 : f32 to vector<1x1xf32>
    %add3A_43 = arith.addf %mul3A_34, %broadcast_in_dim3A_42 : vector<1x1xf32>
    %swap3A_44 = arith.constant 0 : index
    %swap3A_45 = arith.constant 0 : index
    %swap3A_46 = vector.load %arg10[%swap3A_44, %swap3A_45] : memref<1x1xf32, #tpu.memory_space<vmem>>, vector<1x1xf32>
    tpu.vector_store %arg10[%swap3A_44, %swap3A_45], %add3A_43 {strides = array<i32>} : memref<1x1xf32, #tpu.memory_space<vmem>>, vector<1x1xf32>,
    %swap3A_47 = arith.constant 0 : index
    %swap3A_48 = arith.constant 0 : index
    %swap3A_49 = vector.load %arg9[%swap3A_47, %swap3A_48] : memref<1x1xf32, #tpu.memory_space<vmem>>, vector<1x1xf32>
    tpu.vector_store %arg9[%swap3A_47, %swap3A_48], %max3A {strides = array<i32>} : memref<1x1xf32, #tpu.memory_space<vmem>>, vector<1x1xf32>,
    %eq3A_50 = arith.constant 7 : i32
    %eq3A_51 = arith.cmpi eq, %arg0, %eq3A_50 : i32
    %convert_element_type3A_52 = arith.extui %eq3A_51 : i1 to i32
    %cond3A_53 = arith.constant 0 : i32
    %cond3A_54 = arith.cmpi ne, %convert_element_type3A_52, %cond3A_53 : i32
    scf.if %cond3A_54 {
      %get3A_55 = arith.constant 0 : index
      %get3A_56 = arith.constant 0 : index
      %get3A_57 = vector.load %arg10[%get3A_55, %get3A_56] : memref<1x1xf32, #tpu.memory_space<vmem>>, vector<1x1xf32>
      %log3A = math.log %get3A_57 : vector<1x1xf32>
      %add3A_58 = arith.addf %max3A, %log3A : vector<1x1xf32>
      %get3A_59 = arith.constant 0 : index
      %get3A_60 = arith.constant 0 : index
      %get3A_61 = vector.load %arg7[%get3A_59, %get3A_60] : memref<1x102400xf32, #tpu.memory_space<vmem>>, vector<1x100000xf32>
      %sub3A_62 = vector.broadcast %add3A_58 : vector<1x1xf32> to vector<1x100000xf32>
      %sub3A_63 = arith.subf %get3A_61, %sub3A_62 : vector<1x100000xf32>
      %swap3A_64 = arith.constant 0 : index
      %swap3A_65 = arith.constant 0 : index
      %swap3A_66 = vector.load %arg6[%swap3A_64, %swap3A_65] : memref<1x100000xf32, #tpu.memory_space<vmem>>, vector<1x100000xf32>
      tpu.vector_store %arg6[%swap3A_64, %swap3A_65], %sub3A_63 {strides = array<i32>} : memref<1x100000xf32, #tpu.memory_space<vmem>>, vector<1x100000xf32>,
    } else {
    }
    return
  }
  func.func @transform_0(%arg0: i32) -> (i32, i32) {
    %c0_i32 = arith.constant 0 : i32
    %c0_i32_0 = arith.constant 0 : i32
    %c0_i32_1 = arith.constant 0 : i32
    return %c0_i32, %c0_i32_0 : i32, i32
  }
  func.func @transform_1(%arg0: i32) -> (i32, i32) {
    %c0_i32 = arith.constant 0 : i32
    %c0_i32_0 = arith.constant 0 : i32
    %c0_i32_1 = arith.constant 0 : i32
    return %c0_i32, %c0_i32_0 : i32, i32
  }
  func.func @transform_2(%arg0: i32) -> (i32, i32) {
    %c0_i32 = arith.constant 0 : i32
    %c0_i32_0 = arith.constant 0 : i32
    %c0_i32_1 = arith.constant 0 : i32
    return %c0_i32, %c0_i32_0 : i32, i32
  }
  func.func @transform_3(%arg0: i32) -> (i32, i32) {
    %c0_i32 = arith.constant 0 : i32
    %c0_i32_0 = arith.constant 0 : i32
    return %arg0, %c0_i32 : i32, i32
  }
  func.func @transform_4(%arg0: i32) -> (i32, i32) {
    %c0_i32 = arith.constant 0 : i32
    %c0_i32_0 = arith.constant 0 : i32
    return %c0_i32, %arg0 : i32, i32
  }
  func.func @transform_5(%arg0: i32) -> (i32, i32) {
    %c0_i32 = arith.constant 0 : i32
    %c0_i32_0 = arith.constant 0 : i32
    %c0_i32_1 = arith.constant 0 : i32
    return %c0_i32, %c0_i32_0 : i32, i32
  }
}

</mosaic_0001>

<sc_bundles>
// kernel: kernel.4.cloned.1.call-start
scs
__scs_entry_jumppad:
0x0: {  	(pc) =	sbr.rel $0x88, $3  }
0x1: {  	(tag) =	ssettag $0x0;
	lr =	simm.s32 $0x1  }
0x2: {  	[smem:$0x3F9B] =	sst lr;
	_ =	strace $0xD0000000  }
0x3: {  	_ = 	snop  }
0x4: {  	_ = 	snop  }
0x5: {  	_ = 	snop  }
0x6: {  	_ = 	snop  }
0x7: {  	_ = 	snop  }
__scs_overlays_trampoline_lowered:
0x8: {  	[smem:$0x3FAA] =	sst s0  }
0x9: {  	[smem:$0x3FAB] =	sst s1  }
0xa: {  	[smem:$0x3FAC] =	sst s2  }
0xb: {  	[smem:$0x3FAD] =	sst s3  }
0xc: {  	[smem:$0x3FAE] =	sst s4  }
0xd: {  	[smem:$0x3FAF] =	sst s5  }
0xe: {  	[smem:$0x3FB0] =	sst s6  }
0xf: {  	[smem:$0x3FB1] =	sst s7  }
0x10: {  	[smem:$0x3FB2] =	sst s8  }
0x11: {  	[smem:$0x3FB3] =	sst s9;
	s0 =	simm.s32 @!p0 $0x0  }
0x12: {  	s1 =	sld [smem:$0x3F99];
	s0 =	simm.s32 @p0 $0x1  }
0x13: {  	[smem:$0x3FB4] =	sst s0;
	s0 =	simm.s32 @!p1 $0x0  }
0x14: {  	s2 =	sld [smem:$0x3F98];
	s0 =	simm.s32 @p1 $0x1  }
0x15: {  	[smem:$0x3FB5] =	sst s0;
	s0 =	simm.s32 @!p2 $0x0  }
0x16: {  	s3 =	sld [smem:$0x3FDB];
	s0 =	simm.s32 @p2 $0x1  }
0x17: {  	s4 =	simm.s32 $0x1BF5;
	[smem:$0x3FB7] =	sst s0  }
0x18: {  	s0 =	sld [smem:$0x3F9A];
	_ =	swait.ge [sflag:s4], $0x0  }
0x19: {  	s7 =	sld [smem:$0x3F9B]  }
0x1a: {  	s8 =	sadd.s32 $0xFFFFE003, lr  }
0x1b: {  	s9 =	sadd.s32 $0xFFFFFEF7, lr;
	s5 =	simm.s32 $0xFFFFFFFF;
	p2 =	slt.u32 s8, $0xFFFFF086  }
0x1c: {  	p1 =	slt.u32 s9, $0xF7A;
	s5 =	simm.s32 @!p2 $0x0  }
0x1d: {  	s5 =	simm.s32 @p1 $0x1;
	p0 =	seq.s32 s7, s2  }
0x1e: {  	s7 =	smul.u32 @!p0 $0xF7A, s2;
	p2 =	seq.s32 @!p0 s5, $0x0  }
0x1f: {  	s9 =	smul.u32 $0xF7A, s1;
	s8 =	simm.s32 @!p0 $0x1BF5;
	p2 =	por !p2, p0  }
0x20: {  	[sflag:s8] =	ssyncset.s32 @!p0 $0xFFFFF086;
	s6 =	sadd.s32 @!p0 s3, s7;
	s7 =	simm.s32 @!p0 $0x108  }
0x21: {  	s3 =	sadd.s32 s3, s9;
	s6 =	sadd.s32 @!p0 $0x88, s6;
	s7 =	simm.s32 @p2 $0x1082  }
0x22: {  	[simem:s7], [sflag:s8] =	dma.local @!p0 [hbm:s6], $0xF7A  }
0x23: {  	s9 =	sor.u32 $0xD0000000, s2;
	s6 =	simm.s32 $0x108;
	_ =	swait.ge @!p0 [sflag:s8], $0x0  }
0x24: {  	s3 =	sadd.s32 $0x88, s3;
	s6 =	simm.s32 @!p1 $0x1082;
	[sflag:s4] =	ssyncset.s32 $0xFFFFF086  }
0x25: {  	[simem:s6], [sflag:s4] =	dma.local [hbm:s3], $0xF7A  }
0x26: {  	[smem:$0x3F9B] =	sst s1;
	(tag) =	ssettag s2;
	_ =	strace s9  }
0x27: {  	s1 =	sld [smem:$0x3FAB]  }
0x28: {  	s2 =	sld [smem:$0x3FAC]  }
0x29: {  	s4 =	sld [smem:$0x3FAE]  }
0x2a: {  	p0 =	seq.s32 s5, $0x0;
	s5 =	sld [smem:$0x3FAF]  }
0x2b: {  	s6 =	sld [smem:$0x3FB0]  }
0x2c: {  	s7 =	sld [smem:$0x3FB1]  }
0x2d: {  	s3 =	simm.s32 $0x108;
	s8 =	sld [smem:$0x3FB2]  }
0x2e: {  	s3 =	simm.s32 @!p0 $0x1082;
	s9 =	sld [smem:$0x3FB3]  }
0x2f: {  	lr =	sadd.s32 s0, s3;
	s0 =	sld [smem:$0x3FAA]  }
0x30: {  	s3 =	sld [smem:$0x3FAD]  }
0x31: {  	[smem:$0x3FB6] =	sst s10  }
0x32: {  	s10 =	sld [smem:$0x3FB4];
	_ =	sdelay $0x3  }
0x33: {  	p0 =	seq.s32 s10, $0x1;
	s10 =	sld [smem:$0x3FB6];
	_ =	sdelay $0x3  }
0x34: {  	[smem:$0x3FB6] =	sst s10  }
0x35: {  	s10 =	sld [smem:$0x3FB5];
	_ =	sdelay $0x3  }
0x36: {  	p1 =	seq.s32 s10, $0x1;
	s10 =	sld [smem:$0x3FB6];
	_ =	sdelay $0x3  }
0x37: {  	[smem:$0x3FB6] =	sst s10  }
0x38: {  	s10 =	sld [smem:$0x3FB7]  }
0x39: {  	_ = 	snop;
	(pc) =	sbr.ind lr, $3  }
0x3a: {  	_ = 	snop  }
0x3b: {  	_ = 	snop  }
0x3c: {  	p2 =	seq.s32 s10, $0x1;
	s10 =	sld [smem:$0x3FB6]  }
0x3d: {  	_ =	shalt  }
0x3e: {  	_ =	shalt  }
0x3f: {  	_ =	shalt  }
0x40: {  	_ =	shalt  }
0x41: {  	_ =	shalt  }
0x42: {  	_ =	shalt  }
0x43: {  	_ =	shalt  }
0x44: {  	_ =	shalt  }
0x45: {  	_ =	shalt  }
0x46: {  	_ =	shalt  }
0x47: {  	_ =	shalt  }
0x48: {  	_ =	shalt  }
0x49: {  	_ =	shalt  }
0x4a: {  	_ =	shalt  }
0x4b: {  	_ =	shalt  }
0x4c: {  	_ =	shalt  }
0x4d: {  	_ =	shalt  }
0x4e: {  	_ =	shalt  }
0x4f: {  	_ =	shalt  }
0x50: {  	_ =	shalt  }
0x51: {  	_ =	shalt  }
0x52: {  	_ =	shalt  }
0x53: {  	_ =	shalt  }
0x54: {  	_ =	shalt  }
0x55: {  	_ =	shalt  }
0x56: {  	_ =	shalt  }
0x57: {  	_ =	shalt  }
0x58: {  	_ =	shalt  }
0x59: {  	_ =	shalt  }
0x5a: {  	_ =	shalt  }
0x5b: {  	_ =	shalt  }
0x5c: {  	_ =	shalt  }
0x5d: {  	_ =	shalt  }
0x5e: {  	_ =	shalt  }
0x5f: {  	_ =	shalt  }
0x60: {  	_ =	shalt  }
0x61: {  	_ =	shalt  }
0x62: {  	_ =	shalt  }
0x63: {  	_ =	shalt  }
0x64: {  	_ =	shalt  }
0x65: {  	_ =	shalt  }
0x66: {  	_ =	shalt  }
0x67: {  	_ =	shalt  }
0x68: {  	_ =	shalt  }
0x69: {  	_ =	shalt  }
0x6a: {  	_ =	shalt  }
0x6b: {  	_ =	shalt  }
0x6c: {  	_ =	shalt  }
0x6d: {  	_ =	shalt  }
0x6e: {  	_ =	shalt  }
0x6f: {  	_ =	shalt  }
0x70: {  	_ =	shalt  }
0x71: {  	_ =	shalt  }
0x72: {  	_ =	shalt  }
0x73: {  	_ =	shalt  }
0x74: {  	_ =	shalt  }
0x75: {  	_ =	shalt  }
0x76: {  	_ =	shalt  }
0x77: {  	_ =	shalt  }
0x78: {  	_ =	shalt  }
0x79: {  	_ =	shalt  }
0x7a: {  	_ =	shalt  }
0x7b: {  	_ =	shalt  }
0x7c: {  	_ =	shalt  }
0x7d: {  	_ =	shalt  }
0x7e: {  	_ =	shalt  }
0x7f: {  	_ =	shalt  }
0x80: {  	_ =	shalt  }
0x81: {  	_ =	shalt  }
0x82: {  	_ =	shalt  }
0x83: {  	_ =	shalt  }
0x84: {  	_ =	shalt  }
0x85: {  	_ =	shalt  }
0x86: {  	_ =	shalt  }
0x87: {  	_ =	shalt  }
.Lfunc_end0:
.L_simem_size_0:
called_computation_lowered:
.L_overlay_start_0:
0x88: {  	s2 =	sld [smem:$0x3FD9]  }
0x89: {  	s3 =	sld [smem:$0x3FFE];
	_ =	sdelay $0x1  }
0x8a: {  	s1 =	srdreg.scid  }
0x8b: {  	s0 =	sand.u32 $0x1, s1  }
0x8c: {  	s18 =	sshll.u32 s0, $0xA;
	s2 =	sadd.s32 s3, s2  }
0x8d: {  	s2 =	sadd.s32 s2, s18  }
0x8e: {  	[smem:$0x3FC2] =	sst s2  }
0x8f: {  	_ = 	snop  }
0x90: {  	s2 =	sld [smem:$0x3FC9]  }
0x91: {  	s19 =	sld [smem:$0x3FC8]  }
0x92: {  	s4 =	sld [smem:$0x3FD0];
	(tm) =	ssettm $0x1  }
0x93: {  	s5 =	sld [smem:$0x3FFB];
	_ =	sdelay $0x3  }
0x94: {  	_ =	strace s5  }
0x95: {  	s5 =	sld [smem:$0x3FFC];
	_ =	sdelay $0x3  }
0x96: {  	_ =	strace s5  }
0x97: {  	s5 =	sld [smem:$0x3FFD];
	_ =	sdelay $0x3  }
0x98: {  	_ =	strace s5  }
0x99: {  	_ =	strace $0x8FFFFFFF  }
0x9a: {  	s20 =	sld [smem:$0x3FDB];
	_ =	sdelay $0x1  }
0x9b: {  	s6 =	simm.s32 $_scs_section_size  }
0x9c: {  	s7 =	simm.s32 $_size__tile_overlayer_lowered;
	s8 =	simm.s32 $_tile_overlayer_lowered  }
0x9d: {  	s23 =	simm.s32 $0x1BFF;
	s22 =	sshll.u32 s8, $0x1;
	s5 =	sadd.s32 s6, s20  }
0x9e: {  	s9 =	simm.s32 $0x0;
	s21 =	sshll.u32 s7, $0x1;
	s7 =	sadd.s32 s22, s5  }
0x9f: {  	[timem:s9], [sflag:s23] =	dma.local [hbm:s7], s21  }
0xa0: {  	_ =	swait.ge [sflag:s23], s21  }
0xa1: {  	s6 =	ssub.s32 $0x0, s21;
	[sflag:s23] =	ssyncset.done $0x0  }
0xa2: {  	[sflag:s23] =	ssyncadd.s32 s6;
	_ =	sdelay $0x1  }
0xa3: {  	s24 =	simm.s32 $0x1B8B  }
0xa4: {  	_ =	swait.ge [sflag:s24], $0x1  }
0xa5: {  	[sflag:s24] =	ssyncset.done $0x0  }
0xa6: {  	s25 =	simm.s32 $0x1B8E;
	[sflag:s24] =	ssyncadd.s32 $0xFFFFFFFF  }
0xa7: {  	s26 =	simm.s32 $execute0_lowered;
	[smem:$0x3FD2] =	sst s25  }
0xa8: {  	s6 =	sshll.u32 s26, $0x1;
	_ =	strace $0x80000046;
	[dreg:$0x1] =	wrdreg $0xFFFFFFFF  }
0xa9: {  	s28 =	simm.s32 $_size_execute0_lowered;
	s5 =	sadd.s32 s5, s6;
	[dreg:$0x0] =	wrdreg $0x0  }
0xaa: {  	s6 =	sshll.u32 s28, $0x1;
	[dreg:$0x2] =	wrdreg s5  }
0xab: {  	[dreg:$0x3] =	wrdreg s6  }
0xac: {  	[dreg:$0x4] =	wrdreg $0xC0  }
0xad: {  	_ =	task [dreg:s9], $0x5FFFF  }
0xae: {  	[dreg:$0x1] =	wrdreg $0xFFFFFFFF  }
0xaf: {  	[dreg:$0x0] =	wrdreg $0x60  }
0xb0: {  	[dreg:$0x2] =	wrdreg s2  }
0xb1: {  	[dreg:$0x3] =	wrdreg s19  }
0xb2: {  	[dreg:$0x4] =	wrdreg s4  }
0xb3: {  	[dreg:$0x5] =	wrdreg $0x9  }
0xb4: {  	_ =	task.clear_ibuf [dreg:s9], $0x6FFFF;
	_ =	strace $0x90000046  }
0xb5: {  	s29 =	simm.s32 $0x9;
	_ =	strace $0x80000048  }
0xb6: {  	_ =	swait.ge [sflag:s29], $0x1  }
0xb7: {  	[sflag:s29] =	ssyncadd.s32 $0xFFFFFFFF  }
0xb8: {  	_ =	strace $0x90000048  }
0xb9: {  	_ =	sfence  }
0xba: {  	s30 =	sld [smem:$0x0];
	_ =	sdelay $0x2  }
0xbb: {  	s31 =	sshll.u32 s1, $0xD;
	s1 =	sshrl.u32 s1, $0x2  }
0xbc: {  	s3 =	sand.u32 $0x4000, s31;
	s1 =	sadd.s32 s1, s30  }
0xbd: {  	s0 =	sor.u32 s3, s0;
	s1 =	sshll.u32 s1, $0x11  }
0xbe: {  	s0 =	sor.u32 s1, s0  }
0xbf: {  	s0 =	sadd.s32 $0x8F2B, s0  }
0xc0: {  	[sflag:s0] =	ssyncadd.remote.s32 $0x1  }
0xc1: {  	_ =	sfence.sel $0xFFFF  }
0xc2: {  	[dreg:$0x0] =	wrdreg $0xFFFFFFFF;
	(pc) =	sbr.abs _section_cstart, $3  }
0xc3: {  	[dreg:$0x1] =	wrdreg $0xFFFFFFFF  }
0xc4: {  	_ =	task.clear_ibuf [dreg:s9], $0x2FFFF;
	_ =	strace $0x9FFFFFFF  }
0xc5: {  	(tm) =	ssettm $0x7FFFFFFF  }
tec
execute0_lowered:
.L_overlay_start_1:
0x0: {  	(tag) =	ssettag $0x1  }
0x1: {  	s4 =	rddreg [dreg:$0x0]  }
0x2: {  	s2 =	rddreg [dreg:$0x1]  }
0x3: {  	s5 =	rddreg [dreg:$0x2]  }
0x4: {  	s3 =	srdreg.scid;
	s0 =	rddreg [dreg:$0x3]  }
0x5: {  	s1 =	stileid.u32;
	s10 =	simm.s32 $0x1;
	s11 =	simm.s32 $0x480  }
0x6: {  	s6 =	sand.u32 $0x1, s3;
	s3 =	simm.s32 $0x0;
	s8 =	sshll.u32 s1, $0x1  }
.Ltmp0:
0x7: {  	s7 =	ssub.s32 $0x2, s6;
	[smem:$0x7FF] =	sst s3;
	(pc) =	sbr.rel .LBB2_1-.Ltmp0, $4  }
0x8: {  	s8 =	sor.u32 s6, s8;
	s9 =	sshrl.u32 s7, $0x1;
	_ =	strace $0x80000047  }
0x9: {  	s31 =	sshll.u32 s8, $0x4;
	s4 =	sadd.s32 s4, s8;
	p0 =	sgt.u32 s8, $0x18  }
0xa: {  	s8 =	simm.s32 $0x8;
	s30 =	ssub.s32 s7, s9;
	s5 =	sadd.s32 s5, s31  }
0xb: {  	v0 =	vimm.f32 $0.0e+00;
	s7 =	simm.s32 $0x2;
	s9 =	simm.s32 $0x80;
	s6 =	smax.u32 s30, $0x1  }
.LBB2_3:
0xc: {  	s6 =	sadd.s32 $0xFFFFFFFF, s6  }
0xd: {  	p1 =	sne.s32 s6, $0x0  }
.Ltmp1:
0xe: {  	_ = 	snop;
	(pc) =	sbr.rel @!p1 .LBB2_4-.Ltmp1, $4  }
0xf: {  	[hbm4b:s5+s3] =	stream.linear.scatter [tilespmem:s11], [sflag:$0x2], $0x80, $0x38;
	[tilespmem:$0x500] =	vst v63  }
0x10: {  	_ =	swait.ge [sflag:s7], $0x80  }
0x11: {  	[sflag:s7] =	ssyncset.done $0x0  }
0x12: {  	[sflag:s7] =	ssyncadd.s32 $0xFFFFFF80  }
.LBB2_1:
0x13: {  	[tilespmem:$0x480] =	vst v0  }
0x14: {  	[tilespmem:$0x490] =	vst v0  }
0x15: {  	[tilespmem:$0x4A0] =	vst v0  }
.Ltmp2:
0x16: {  	[tilespmem:$0x4B0] =	vst v0;
	(pc) =	sbr.rel @p0 .LBB2_3-.Ltmp2, $4  }
0x17: {  	[tilespmem:$0x4C0] =	vst v0  }
0x18: {  	[tilespmem:$0x4D0] =	vst v0  }
0x19: {  	[tilespmem:$0x4E0] =	vst v0  }
0x1a: {  	[tilespmem:$0x4F0] =	vst v0  }
0x1b: {  	[tilespmem:s3], [sflag:$0x2] =	stream.linear.gather [hbm4b:s4+s3], $0x8, $0x38;
	[tilespmem:$0x500] =	vst v63  }
0x1c: {  	_ =	swait.ge [sflag:s7], $0x8  }
0x1d: {  	[sflag:s7] =	ssyncset.done $0x0  }
0x1e: {  	[sflag:s7] =	ssyncadd.s32 $0xFFFFFFF8  }
0x1f: {  	[tilespmem:s9], [sflag:$0x1] =	stream.indirect.gather [hbm4b:s2+s8], $0x80, s3, s8, $0xb8;
	[tilespmem:$0x500] =	vst v63  }
0x20: {  	_ =	swait.ge [sflag:s10], $0x400  }
0x21: {  	[sflag:s10] =	ssyncset.done $0x0  }
0x22: {  	[sflag:s10] =	ssyncadd.s32 $0xFFFFFC00  }
0x23: {  	v1 =	vld [tilespmem:$0x480]  }
0x24: {  	v2 =	vld [tilespmem:$0x80]  }
0x25: {  	v3 =	vld [tilespmem:$0x100]  }
0x26: {  	v4 =	vld [tilespmem:$0x180]  }
0x27: {  	v5 =	vld [tilespmem:$0x200]  }
0x28: {  	v6 =	vld [tilespmem:$0x280]  }
0x29: {  	v7 =	vld [tilespmem:$0x300]  }
0x2a: {  	v8 =	vld [tilespmem:$0x380]  }
0x2b: {  	v9 =	vld [tilespmem:$0x400]  }
0x2c: {  	v10 =	vld [tilespmem:$0x490]  }
0x2d: {  	v11 =	vld [tilespmem:$0x90]  }
0x2e: {  	v12 =	vld [tilespmem:$0x110]  }
0x2f: {  	v13 =	vld [tilespmem:$0x190]  }
0x30: {  	v14 =	vld [tilespmem:$0x210]  }
0x31: {  	v15 =	vld [tilespmem:$0x290]  }
0x32: {  	v16 =	vld [tilespmem:$0x310]  }
0x33: {  	v17 =	vld [tilespmem:$0x390]  }
0x34: {  	v18 =	vld [tilespmem:$0x410]  }
0x35: {  	v19 =	vld [tilespmem:$0x4A0]  }
0x36: {  	v20 =	vld [tilespmem:$0xA0]  }
0x37: {  	v21 =	vld [tilespmem:$0x120]  }
0x38: {  	v22 =	vld [tilespmem:$0x1A0]  }
0x39: {  	v23 =	vld [tilespmem:$0x220]  }
0x3a: {  	v24 =	vld [tilespmem:$0x2A0]  }
0x3b: {  	v25 =	vld [tilespmem:$0x320]  }
0x3c: {  	v26 =	vld [tilespmem:$0x3A0]  }
0x3d: {  	v27 =	vld [tilespmem:$0x420]  }
0x3e: {  	v28 =	vld [tilespmem:$0x4B0]  }
0x3f: {  	v29 =	vld [tilespmem:$0xB0]  }
0x40: {  	v30 =	vld [tilespmem:$0x130]  }
0x41: {  	v31 =	vld [tilespmem:$0x1B0]  }
0x42: {  	v32 =	vld [tilespmem:$0x230]  }
0x43: {  	v33 =	vld [tilespmem:$0x2B0]  }
0x44: {  	v34 =	vld [tilespmem:$0x330]  }
0x45: {  	v35 =	vld [tilespmem:$0x3B0]  }
0x46: {  	v36 =	vld [tilespmem:$0x430]  }
0x47: {  	v37 =	vld [tilespmem:$0x4C0]  }
0x48: {  	v38 =	vld [tilespmem:$0xC0]  }
0x49: {  	v39 =	vld [tilespmem:$0x140]  }
0x4a: {  	v40 =	vld [tilespmem:$0x1C0]  }
0x4b: {  	v41 =	vld [tilespmem:$0x240]  }
0x4c: {  	v42 =	vld [tilespmem:$0x2C0]  }
0x4d: {  	v58 =	vld [tilespmem:$0x4D0]  }
0x4e: {  	v60 =	vld [tilespmem:$0xD0]  }
0x4f: {  	v43 =	vld [tilespmem:$0x340];
	v1 =	vadd.f32 v2, v1;
	v10 =	vadd.f32 v11, v10  }
0x50: {  	v61 =	vld [tilespmem:$0x150];
	v59 =	vadd.f32 v29, v28;
	v46 =	vadd.f32 v38, v37  }
0x51: {  	v62 =	vld [tilespmem:$0x1D0];
	v1 =	vadd.f32 v3, v1;
	v3 =	vadd.f32 v20, v19  }
0x52: {  	v63 =	vld [tilespmem:$0x250];
	v10 =	vadd.f32 v12, v10;
	v12 =	vadd.f32 v30, v59  }
0x53: {  	v44 =	vld [tilespmem:$0xF0];
	v19 =	vadd.f32 v60, v58;
	v1 =	vadd.f32 v4, v1  }
0x54: {  	v45 =	vld [tilespmem:$0x160];
	v3 =	vadd.f32 v21, v3;
	v10 =	vadd.f32 v13, v10  }
0x55: {  	v47 =	vld [tilespmem:$0x170];
	v12 =	vadd.f32 v31, v12;
	v21 =	vadd.f32 v39, v46  }
0x56: {  	v48 =	vld [tilespmem:$0x1E0];
	v4 =	vadd.f32 v61, v19;
	v1 =	vadd.f32 v5, v1  }
0x57: {  	v49 =	vld [tilespmem:$0x1F0];
	v3 =	vadd.f32 v22, v3;
	v10 =	vadd.f32 v14, v10  }
0x58: {  	v50 =	vld [tilespmem:$0x260];
	v12 =	vadd.f32 v32, v12;
	v51 =	vadd.f32 v40, v21  }
0x59: {  	v28 =	vld [tilespmem:$0x2D0];
	v4 =	vadd.f32 v62, v4;
	v1 =	vadd.f32 v6, v1  }
0x5a: {  	v32 =	vld [tilespmem:$0x4E0];
	v3 =	vadd.f32 v23, v3;
	v12 =	vadd.f32 v33, v12  }
0x5b: {  	v10 =	vadd.f32 v15, v10;
	v33 =	vld [tilespmem:$0xE0];
	v19 =	vadd.f32 v41, v51  }
0x5c: {  	v4 =	vadd.f32 v63, v4;
	v12 =	vadd.f32 v34, v12;
	v34 =	vld [tilespmem:$0x4F0]  }
0x5d: {  	v52 =	vld [tilespmem:$0x270];
	v1 =	vadd.f32 v7, v1;
	v3 =	vadd.f32 v24, v3  }
0x5e: {  	v53 =	vld [tilespmem:$0x2E0];
	v10 =	vadd.f32 v16, v10;
	v57 =	vadd.f32 v42, v19  }
0x5f: {  	v54 =	vld [tilespmem:$0x2F0];
	v4 =	vadd.f32 v28, v4;
	v1 =	vadd.f32 v8, v1  }
0x60: {  	v29 =	vld [tilespmem:$0x350];
	v3 =	vadd.f32 v25, v3;
	v8 =	vadd.f32 v33, v32  }
0x61: {  	v56 =	vld [tilespmem:$0x360];
	v1 =	vadd.f32 v9, v1;
	v9 =	vadd.f32 v44, v34  }
0x62: {  	v2 =	vld [tilespmem:$0x3C0];
	v10 =	vadd.f32 v17, v10;
	v8 =	vadd.f32 v45, v8  }
0x63: {  	v11 =	vld [tilespmem:$0x440];
	v12 =	vadd.f32 v35, v12;
	v9 =	vadd.f32 v47, v9  }
0x64: {  	v30 =	vld [tilespmem:$0x3D0];
	v16 =	vadd.f32 v43, v57;
	v8 =	vadd.f32 v48, v8  }
0x65: {  	v58 =	vld [tilespmem:$0x370];
	v4 =	vadd.f32 v29, v4;
	v55 =	vadd.f32 v49, v9  }
0x66: {  	v59 =	vld [tilespmem:$0x3E0];
	v3 =	vadd.f32 v26, v3;
	v8 =	vadd.f32 v50, v8  }
0x67: {  	v60 =	vld [tilespmem:$0x3F0];
	v10 =	vadd.f32 v18, v10;
	v5 =	vadd.f32 v52, v55  }
0x68: {  	v31 =	vld [tilespmem:$0x450];
	v12 =	vadd.f32 v36, v12;
	v8 =	vadd.f32 v53, v8  }
0x69: {  	v61 =	vld [tilespmem:$0x460];
	v4 =	vadd.f32 v30, v4;
	v5 =	vadd.f32 v54, v5  }
0x6a: {  	v62 =	vld [tilespmem:$0x470];
	[tilespmem:$0x480] =	vst v1;
	v1 =	vadd.f32 v2, v16;
	v2 =	vadd.f32 v56, v8  }
0x6b: {  	v3 =	vadd.f32 v27, v3;
	[tilespmem:$0x490] =	vst v10;
	v5 =	vadd.f32 v58, v5  }
0x6c: {  	[tilespmem:$0x4B0] =	vst v12;
	v1 =	vadd.f32 v11, v1;
	v2 =	vadd.f32 v59, v2  }
.Ltmp3:
0x6d: {  	[tilespmem:$0x4A0] =	vst v3;
	v3 =	vadd.f32 v31, v4;
	v63 =	vadd.f32 v60, v5;
	(pc) =	sbr.rel .LBB2_3-.Ltmp3, $4  }
0x6e: {  	[tilespmem:$0x4C0] =	vst v1;
	v1 =	vadd.f32 v61, v2  }
0x6f: {  	[tilespmem:$0x4D0] =	vst v3;
	v2 =	vadd.f32 v62, v63  }
0x70: {  	[tilespmem:$0x4E0] =	vst v1  }
0x71: {  	[tilespmem:$0x4F0] =	vst v2  }
.LBB2_4:
0x72: {  	_ =	sfence.sel $0x180000  }
0x73: {  	[bflag:$0x0] =	sbarrier.arrive $0xFFFF  }
0x74: {  	p0 =	sne.s32 s1, $0x0;
	_ =	strace $0x90000047  }
0x75: {  	s0 =	sadd.s32 @!p0 $0x100000, s0;
	[bflag:$0x2] =	sbarrier.arrive $0xFFFF  }
0x76: {  	[sflag:s0] =	ssyncadd.tile.s32 @!p0 $0x1;
	_ =	shalt  }
.Lfunc_end2:
_tile_overlayer_lowered:
.L_overlay_start_2:
0x77: {  	(tag) =	ssettag $0x2  }
0x78: {  	s0 =	rddreg [dreg:$0x0];
	s2 =	stileid.u32  }
0x79: {  	s1 =	rddreg [dreg:$0x1];
	p0 =	sne.s32 s2, $0x0  }
0x7a: {  	s3 =	rddreg [dreg:$0x2];
	[bflag:$0x3] =	sbarrier.arrive $0xFFFF;
	s2 =	simm.s32 @!p0 $0x1C02  }
0x7b: {  	[timem:s3], [sflag:s2] =	dma.local @!p0 [hbm:s0], s1  }
0x7c: {  	s0 =	simm.s32 @!p0 $0x2  }
0x7d: {  	_ =	swait.ge @!p0 [sflag:s0], s1  }
0x7e: {  	s1 =	ssub.s32 @!p0 $0x0, s1;
	[sflag:s0] =	ssyncset.done @!p0 $0x0  }
0x7f: {  	[sflag:s0] =	ssyncadd.s32 @!p0 s1  }
0x80: {  	[bflag:$0x3] =	sbarrier.arrive $0xFFFF  }
0x81: {  	_ =	shalt  }

</sc_bundles>
